<compile_context>
chip_gen: v7x
topology: tpu7x:2x2x1
jax: 0.10.2.dev20260603
libtpu: 0.0.44.dev20260713+nightly
codegen_flags: <defaults>
</compile_context>

<pallas_src>
import functools

import jax
import jax.numpy as jnp
from jax import lax
from jax.experimental import pallas as pl
from jax.experimental.pallas import tpu as pltpu
from jax.experimental.pallas import tpu_sc as plsc

NC = 2
NS = 16
CH = 128
NB = 2


def _proj_body(x_ref, w0t_ref, w1ta_ref, w1tb_ref, b0_ref, b1a_ref, b1b_ref,
               o0_ref, o1_ref):
    x = x_ref[...]
    o0_ref[...] = jnp.dot(x, w0t_ref[...], preferred_element_type=jnp.float32) + b0_ref[...]
    o1_ref[0] = jnp.dot(x, w1ta_ref[...], preferred_element_type=jnp.float32) + b1a_ref[...]
    o1_ref[1] = jnp.dot(x, w1tb_ref[...], preferred_element_type=jnp.float32) + b1b_ref[...]


def _combine_body(vw0_ref, p0_ref, p1_ref, o_ref):
    ns = jnp.concatenate([p0_ref[0], p1_ref[0]], axis=1)
    o_ref[...] = vw0_ref[...] + jnp.concatenate([ns, jnp.zeros_like(ns)], axis=1)


def _make_agg(v, vpad, hc, per_w):
    n_chunks = per_w // CH
    n_rounds = n_chunks // NB
    rows_per_tile = vpad // NS
    stage_per_tile = v // NS
    mesh = plsc.VectorSubcoreMesh(core_axis_name="c", subcore_axis_name="s")

    @functools.partial(
        pl.kernel,
        mesh=mesh,
        out_type=jax.ShapeDtypeStruct((NC, vpad, hc), jnp.float32),
        scratch_types=[
            pltpu.VMEM((n_chunks, CH), jnp.int32),
            [pltpu.VMEM((CH,), jnp.int32) for _ in range(NB)],
            [pltpu.VMEM((CH,), jnp.int32) for _ in range(NB)],
            [pltpu.VMEM((CH, hc), jnp.float32) for _ in range(NB)],
            [pltpu.VMEM((CH, hc), jnp.float32) for _ in range(NB)],
            pltpu.VMEM((rows_per_tile, hc), jnp.float32),
            pltpu.VMEM_SHARED((vpad, hc), jnp.float32),
            pltpu.VMEM_SHARED((vpad, hc), jnp.float32),
            [pltpu.SemaphoreType.DMA for _ in range(2 * NB)],
        ],
        compiler_params=pltpu.CompilerParams(use_tc_tiling_on_sc=False),
    )
    def agg(w1c_hbm, epk_hbm, out_hbm, epki, dsti, srci, rowsa, rowsb,
            zbuf, acc, w1s, sems):
        c = lax.axis_index("c")
        s = lax.axis_index("s")

        ge = pltpu.async_copy(epk_hbm.at[s], epki, sems[0])
        r0 = s * rows_per_tile
        sv = s * stage_per_tile
        pltpu.sync_copy(w1c_hbm.at[c, pl.ds(sv, stage_per_tile)],
                        w1s.at[pl.ds(sv, stage_per_tile)])

        def zstore(i, carry):
            for j in range(hc // 16):
                zbuf[i, pl.ds(16 * j, 16)] = jnp.zeros((16,), jnp.float32)
            return carry

        lax.fori_loop(0, rows_per_tile, zstore, None)
        pltpu.sync_copy(zbuf, acc.at[pl.ds(r0, rows_per_tile)])
        ge.wait()
        plsc.subcore_barrier()

        def unpack(k, b):
            for j in range(CH // 16):
                w = epki[k, pl.ds(16 * j, 16)]
                dsti[b][pl.ds(16 * j, 16)] = w >> 16
                srci[b][pl.ds(16 * j, 16)] = w & 0xFFFF

        def fire(k, b):
            pltpu.async_copy(w1s.at[srci[b]], rowsa[b], sems[2 * b])
            pltpu.async_copy(w1s.at[dsti[b]], rowsb[b], sems[2 * b + 1])

        for b in range(NB):
            unpack(b, b)
            fire(b, b)

        def round_body(r, carry):
            k0 = r * NB
            for b in range(NB):
                k = k0 + b
                pltpu.make_async_copy(w1s.at[srci[b]], rowsa[b], sems[2 * b]).wait()
                pltpu.sync_copy(rowsa[b], acc.at[dsti[b]], add=True)
                pltpu.make_async_copy(w1s.at[dsti[b]], rowsb[b], sems[2 * b + 1]).wait()
                pltpu.sync_copy(rowsb[b], acc.at[srci[b]], add=True)

                @pl.when(k + NB < n_chunks)
                def _():
                    unpack(k + NB, b)
                    fire(k + NB, b)
            return carry

        lax.fori_loop(0, n_rounds, round_body, None)
        plsc.subcore_barrier()
        pltpu.sync_copy(acc.at[pl.ds(r0, rows_per_tile)],
                        out_hbm.at[c, pl.ds(r0, rows_per_tile)])

    return agg


@jax.jit
def kernel(verts, edges, w0_w, w0_b, w1_w, w1_b):
    v, d_in = verts.shape
    d_out = w0_w.shape[0]
    d_sup = w1_w.shape[0]
    hc = d_sup // NC
    e = edges.shape[0]
    vb = 1000
    grid = v // vb
    vpad = -(-(v + 1) // (NS * 8)) * (NS * 8)

    w1t = w1_w.T

    vw0, vw1c = pl.pallas_call(
        _proj_body,
        grid=(grid,),
        in_specs=[
            pl.BlockSpec((vb, d_in), lambda i: (i, 0)),
            pl.BlockSpec((d_in, d_out), lambda i: (0, 0)),
            pl.BlockSpec((d_in, hc), lambda i: (0, 0)),
            pl.BlockSpec((d_in, hc), lambda i: (0, 0)),
            pl.BlockSpec((1, d_out), lambda i: (0, 0)),
            pl.BlockSpec((1, hc), lambda i: (0, 0)),
            pl.BlockSpec((1, hc), lambda i: (0, 0)),
        ],
        out_specs=[
            pl.BlockSpec((vb, d_out), lambda i: (i, 0)),
            pl.BlockSpec((NC, vb, hc), lambda i: (0, i, 0)),
        ],
        out_shape=[
            jax.ShapeDtypeStruct((v, d_out), jnp.float32),
            jax.ShapeDtypeStruct((NC, v, hc), jnp.float32),
        ],
    )(verts, w0_w.T, w1t[:, :hc], w1t[:, hc:], w0_b[None, :],
      w1_b[None, :hc], w1_b[None, hc:])

    epk = jnp.left_shift(edges[:, 0], 16) | edges[:, 1]
    per_w = -(-e // (NS * CH * NB)) * (CH * NB)
    pad_n = per_w * NS - e
    epk = jnp.concatenate([epk, jnp.full((pad_n,), (v << 16) | v, jnp.int32)])
    epk = epk.reshape(NS, per_w // CH, CH)

    partials = _make_agg(v, vpad, hc, per_w)(vw1c, epk)

    out = pl.pallas_call(
        _combine_body,
        grid=(grid,),
        in_specs=[
            pl.BlockSpec((vb, d_out), lambda i: (i, 0)),
            pl.BlockSpec((1, vb, hc), lambda i: (0, i, 0)),
            pl.BlockSpec((1, vb, hc), lambda i: (1, i, 0)),
        ],
        out_specs=pl.BlockSpec((vb, d_out), lambda i: (i, 0)),
        out_shape=jax.ShapeDtypeStruct((v, d_out), jnp.float32),
    )(vw0, partials, partials)
    return out

# --- scband reference (transcript-rebuilt; emitter-appended) ---
"""Pipeline reference for scband-zngraph-conv-13589276524721 (READ-ONLY COPY).

The authoritative reference and input builder live on the scoring server;
editing this copy changes nothing except your own understanding.
"""

import jax, jax.numpy as jnp
import numpy as np

V = 10000
E = 320000
D_IN = 128
D_OUT = 128
D_SUP = 64  # int(output_dim * with_neighbor) = int(128 * 0.5)


def setup_inputs(seed: int = 0) -> dict:
    key = jax.random.key(seed)
    k1, k2, k3, k4 = jax.random.split(key, 4)
    verts = jax.random.normal(k1, (V, D_IN), dtype=jnp.float32)
    edges = jax.random.randint(k2, (E, 2), 0, V, dtype=jnp.int32)
    # nn.Linear weights, init='normal': weight ~ N(0, 0.01), bias = 0
    w0_w = jax.random.normal(k3, (D_OUT, D_IN), dtype=jnp.float32) * 0.01
    w0_b = jnp.zeros((D_OUT,), dtype=jnp.float32)
    w1_w = jax.random.normal(k4, (D_SUP, D_IN), dtype=jnp.float32) * 0.01
    w1_b = jnp.zeros((D_SUP,), dtype=jnp.float32)
    return {"verts": verts, "edges": edges, "w0_w": w0_w, "w0_b": w0_b, "w1_w": w1_w, "w1_b": w1_b}


def reference(verts, edges, w0_w, w0_b, w1_w, w1_b):
    # verts_w0 = self.w0(verts); verts_w1 = self.w1(verts)
    verts_w0 = verts @ w0_w.T + w0_b
    verts_w1 = verts @ w1_w.T + w1_b
    # gather_scatter_python(verts_w1, edges, directed=False):
    # output.index_add(0, idx0, input[idx1]); if not directed: index_add(0, idx1, input[idx0])
    idx0 = edges[:, 0]
    idx1 = edges[:, 1]
    neighbor_sums = jnp.zeros_like(verts_w1)
    neighbor_sums = neighbor_sums.at[idx0].add(verts_w1[idx1])
    neighbor_sums = neighbor_sums.at[idx1].add(verts_w1[idx0])
    # pad with zeros to output_dim (zero-neighbor trick)
    zero_neighbor = jnp.zeros((neighbor_sums.shape[0], D_OUT - D_SUP), dtype=neighbor_sums.dtype)
    neighbor_sums = jnp.concatenate((neighbor_sums, zero_neighbor), axis=1)
    out = verts_w0 + neighbor_sums
    return out

if __name__ == "__main__":
    import jax
    _d = setup_inputs()
    print(jax.jit(kernel)(*tuple(_d.values())))

</pallas_src>

<mosaic_0001>
#map = affine_map<(d0, d1) -> (0, 0, 0)>
module attributes {stable_mosaic.version = 14 : i64} {
  func.func @agg(%arg0: i32, %arg1: i32, %arg2: memref<2x10000x32xf32, #tpu.memory_space<hbm>>, %arg3: memref<16x158x128xi32, #tpu.memory_space<hbm>>, %arg4: memref<2x10112x32xf32, #tpu.memory_space<hbm>>, %arg5: memref<158x128xi32, #tpu.memory_space<vmem>>, %arg6: memref<128xi32, #tpu.memory_space<vmem>>, %arg7: memref<128xi32, #tpu.memory_space<vmem>>, %arg8: memref<128xi32, #tpu.memory_space<vmem>>, %arg9: memref<128xi32, #tpu.memory_space<vmem>>, %arg10: memref<128x32xf32, #tpu.memory_space<vmem>>, %arg11: memref<128x32xf32, #tpu.memory_space<vmem>>, %arg12: memref<128x32xf32, #tpu.memory_space<vmem>>, %arg13: memref<128x32xf32, #tpu.memory_space<vmem>>, %arg14: memref<632x32xf32, #tpu.memory_space<vmem>>, %arg15: memref<10112x32xf32, #tpu.memory_space<vmem_shared>>, %arg16: memref<10112x32xf32, #tpu.memory_space<vmem_shared>>, %arg17: memref<!tpu.dma_semaphore, #tpu.memory_space<semaphore_mem>>, %arg18: memref<!tpu.dma_semaphore, #tpu.memory_space<semaphore_mem>>, %arg19: memref<!tpu.dma_semaphore, #tpu.memory_space<semaphore_mem>>, %arg20: memref<!tpu.dma_semaphore, #tpu.memory_space<semaphore_mem>>) attributes {dimension_semantics = [#tpu.dimension_semantics<core_parallel>, #tpu.dimension_semantics<subcore_parallel>], iteration_bounds = array<i64: 2, 16>, scalar_prefetch = 0 : i64, scratch_operands = 16 : i64, tpu.core_type = #tpu.core_type<sc_vector_subcore>, window_params = [{transform_indices = #map}, {transform_indices = #map}, {transform_indices = #map}]} {
    %dma_start3A = arith.constant 0 : i32
    %dma_start3A_0 = arith.constant 0 : i32
    %dma_start3A_1 = tpu.memref_slice %arg3[%arg1, %dma_start3A, %dma_start3A_0] : memref<16x158x128xi32, #tpu.memory_space<hbm>> -> memref<1x158x128xi32, #tpu.memory_space<hbm>>
    %dma_start3A_2 = tpu.memref_squeeze %dma_start3A_1 : memref<1x158x128xi32, #tpu.memory_space<hbm>> -> memref<158x128xi32, #tpu.memory_space<hbm>>
    %dma_start3A_3 = arith.constant 0 : i32
    %dma_start3A_4 = arith.constant 0 : i32
    %dma_start3A_5 = tpu.memref_slice %arg3[%arg1, %dma_start3A_3, %dma_start3A_4] : memref<16x158x128xi32, #tpu.memory_space<hbm>> -> memref<1x158x128xi32, #tpu.memory_space<hbm>>
    %dma_start3A_6 = tpu.memref_squeeze %dma_start3A_5 : memref<1x158x128xi32, #tpu.memory_space<hbm>> -> memref<158x128xi32, #tpu.memory_space<hbm>>
    tpu.enqueue_dma source(%dma_start3A_6 : memref<158x128xi32, #tpu.memory_space<hbm>>) target(%arg5 : memref<158x128xi32, #tpu.memory_space<vmem>>) target_semaphore(%arg17 : memref<!tpu.dma_semaphore, #tpu.memory_space<semaphore_mem>>)
    %mul3A = arith.constant 632 : i32
    %mul3A_7 = arith.muli %arg1, %mul3A : i32
    %mul3A_8 = arith.constant 625 : i32
    %mul3A_9 = arith.muli %arg1, %mul3A_8 : i32
    "tpu.region"() ({
      %run_scoped3A = tpu.sem_alloc : memref<!tpu.dma_semaphore, #tpu.memory_space<semaphore_mem>>
      %dma_start3A_339 = arith.constant 0 : i32
      %dma_start3A_340 = tpu.memref_slice %arg16[%mul3A_9, %dma_start3A_339] : memref<10112x32xf32, #tpu.memory_space<vmem_shared>> -> memref<625x32xf32, #tpu.memory_space<vmem_shared>>
      %dma_start3A_341 = arith.constant 0 : i32
      %dma_start3A_342 = tpu.memref_slice %arg2[%arg0, %mul3A_9, %dma_start3A_341] : memref<2x10000x32xf32, #tpu.memory_space<hbm>> -> memref<1x625x32xf32, #tpu.memory_space<hbm>>
      %dma_start3A_343 = tpu.memref_squeeze %dma_start3A_342 : memref<1x625x32xf32, #tpu.memory_space<hbm>> -> memref<625x32xf32, #tpu.memory_space<hbm>>
      tpu.enqueue_dma source(%dma_start3A_343 : memref<625x32xf32, #tpu.memory_space<hbm>>) target(%dma_start3A_340 : memref<625x32xf32, #tpu.memory_space<vmem_shared>>) target_semaphore(%run_scoped3A : memref<!tpu.dma_semaphore, #tpu.memory_space<semaphore_mem>>)
      %dma_wait3A_344 = arith.constant 0 : i32
      %dma_wait3A_345 = tpu.memref_slice %arg16[%mul3A_9, %dma_wait3A_344] : memref<10112x32xf32, #tpu.memory_space<vmem_shared>> -> memref<625x32xf32, #tpu.memory_space<vmem_shared>>
      %dma_wait3A_346 = arith.constant 0 : i32
      %dma_wait3A_347 = tpu.memref_slice %arg2[%arg0, %mul3A_9, %dma_wait3A_346] : memref<2x10000x32xf32, #tpu.memory_space<hbm>> -> memref<1x625x32xf32, #tpu.memory_space<hbm>>
      %dma_wait3A_348 = tpu.memref_squeeze %dma_wait3A_347 : memref<1x625x32xf32, #tpu.memory_space<hbm>> -> memref<625x32xf32, #tpu.memory_space<hbm>>
      tpu.wait_dma2 semaphore(%run_scoped3A : memref<!tpu.dma_semaphore, #tpu.memory_space<semaphore_mem>>) src(%dma_wait3A_348 : memref<625x32xf32, #tpu.memory_space<hbm>>) dst(%dma_wait3A_345 : memref<625x32xf32, #tpu.memory_space<vmem_shared>>)
      tpu.yield
    }) : () -> ()
    %scan3A = arith.constant 0 : i32
    %scan3A_10 = arith.constant 632 : i32
    %scan3A_11 = arith.addi %scan3A, %scan3A_10 : i32
    %scan3A_12 = arith.constant 1 : i32
    scf.for %scan3A_339 = %scan3A to %scan3A_11 step %scan3A_12  : i32 {
      %broadcast_in_dim3A = arith.constant 0.000000e+00 : f32
      %broadcast_in_dim3A_340 = vector.broadcast %broadcast_in_dim3A : f32 to vector<16xf32>
      %swap3A_341 = arith.index_cast %scan3A_339 : i32 to index
      %swap3A_342 = arith.constant 0 : index
      %swap3A_343 = tpu.vector_load %arg14[%swap3A_341, %swap3A_342] {strides = array<i32>} : memref<632x32xf32, #tpu.memory_space<vmem>>, vector<1x16xf32>,
      %swap3A_344 = vector.shape_cast %swap3A_343 : vector<1x16xf32> to vector<16xf32>
      %swap3A_345 = vector.shape_cast %broadcast_in_dim3A_340 : vector<16xf32> to vector<1x16xf32>
      tpu.vector_store %arg14[%swap3A_341, %swap3A_342], %swap3A_345 {strides = array<i32>} : memref<632x32xf32, #tpu.memory_space<vmem>>, vector<1x16xf32>,
      %broadcast_in_dim3A_346 = arith.constant 0.000000e+00 : f32
      %broadcast_in_dim3A_347 = vector.broadcast %broadcast_in_dim3A_346 : f32 to vector<16xf32>
      %swap3A_348 = arith.index_cast %scan3A_339 : i32 to index
      %swap3A_349 = arith.constant 16 : index
      %swap3A_350 = tpu.vector_load %arg14[%swap3A_348, %swap3A_349] {strides = array<i32>} : memref<632x32xf32, #tpu.memory_space<vmem>>, vector<1x16xf32>,
      %swap3A_351 = vector.shape_cast %swap3A_350 : vector<1x16xf32> to vector<16xf32>
      %swap3A_352 = vector.shape_cast %broadcast_in_dim3A_347 : vector<16xf32> to vector<1x16xf32>
      tpu.vector_store %arg14[%swap3A_348, %swap3A_349], %swap3A_352 {strides = array<i32>} : memref<632x32xf32, #tpu.memory_space<vmem>>, vector<1x16xf32>,
    }
    %scan3A_13 = arith.constant 632 : i32
    "tpu.region"() ({
      %run_scoped3A = tpu.sem_alloc : memref<!tpu.dma_semaphore, #tpu.memory_space<semaphore_mem>>
      %dma_start3A_339 = arith.constant 0 : i32
      %dma_start3A_340 = tpu.memref_slice %arg15[%mul3A_7, %dma_start3A_339] : memref<10112x32xf32, #tpu.memory_space<vmem_shared>> -> memref<632x32xf32, #tpu.memory_space<vmem_shared>>
      %dma_start3A_341 = arith.constant 0 : i32
      %dma_start3A_342 = tpu.memref_slice %arg15[%mul3A_7, %dma_start3A_341] : memref<10112x32xf32, #tpu.memory_space<vmem_shared>> -> memref<632x32xf32, #tpu.memory_space<vmem_shared>>
      tpu.enqueue_dma source(%arg14 : memref<632x32xf32, #tpu.memory_space<vmem>>) target(%dma_start3A_342 : memref<632x32xf32, #tpu.memory_space<vmem_shared>>) target_semaphore(%run_scoped3A : memref<!tpu.dma_semaphore, #tpu.memory_space<semaphore_mem>>)
      %dma_wait3A_343 = arith.constant 0 : i32
      %dma_wait3A_344 = tpu.memref_slice %arg15[%mul3A_7, %dma_wait3A_343] : memref<10112x32xf32, #tpu.memory_space<vmem_shared>> -> memref<632x32xf32, #tpu.memory_space<vmem_shared>>
      %dma_wait3A_345 = arith.constant 0 : i32
      %dma_wait3A_346 = tpu.memref_slice %arg15[%mul3A_7, %dma_wait3A_345] : memref<10112x32xf32, #tpu.memory_space<vmem_shared>> -> memref<632x32xf32, #tpu.memory_space<vmem_shared>>
      tpu.wait_dma2 semaphore(%run_scoped3A : memref<!tpu.dma_semaphore, #tpu.memory_space<semaphore_mem>>) src(%arg14 : memref<632x32xf32, #tpu.memory_space<vmem>>) dst(%dma_wait3A_346 : memref<632x32xf32, #tpu.memory_space<vmem_shared>>)
      tpu.yield
    }) : () -> ()
    %dma_wait3A = arith.constant 0 : i32
    %dma_wait3A_14 = arith.constant 0 : i32
    %dma_wait3A_15 = tpu.memref_slice %arg3[%arg1, %dma_wait3A, %dma_wait3A_14] : memref<16x158x128xi32, #tpu.memory_space<hbm>> -> memref<1x158x128xi32, #tpu.memory_space<hbm>>
    %dma_wait3A_16 = tpu.memref_squeeze %dma_wait3A_15 : memref<1x158x128xi32, #tpu.memory_space<hbm>> -> memref<158x128xi32, #tpu.memory_space<hbm>>
    %dma_wait3A_17 = arith.constant 0 : i32
    %dma_wait3A_18 = arith.constant 0 : i32
    %dma_wait3A_19 = tpu.memref_slice %arg3[%arg1, %dma_wait3A_17, %dma_wait3A_18] : memref<16x158x128xi32, #tpu.memory_space<hbm>> -> memref<1x158x128xi32, #tpu.memory_space<hbm>>
    %dma_wait3A_20 = tpu.memref_squeeze %dma_wait3A_19 : memref<1x158x128xi32, #tpu.memory_space<hbm>> -> memref<158x128xi32, #tpu.memory_space<hbm>>
    tpu.wait_dma2 semaphore(%arg17 : memref<!tpu.dma_semaphore, #tpu.memory_space<semaphore_mem>>) src(%dma_wait3A_20 : memref<158x128xi32, #tpu.memory_space<hbm>>) dst(%arg5 : memref<158x128xi32, #tpu.memory_space<vmem>>)
    %barrier3A = arith.constant 0 : index
    tpu.barrier barrier_id(%barrier3A)
    %get3A = arith.constant 0 : i32
    %get3A_21 = arith.index_cast %get3A : i32 to index
    %get3A_22 = arith.constant 0 : index
    %get3A_23 = tpu.vector_load %arg5[%get3A_21, %get3A_22] {strides = array<i32>} : memref<158x128xi32, #tpu.memory_space<vmem>>, vector<1x16xi32>,
    %get3A_24 = vector.shape_cast %get3A_23 : vector<1x16xi32> to vector<16xi32>
    %shift_right_arithmetic3A = arith.constant 16 : i32
    %shift_right_arithmetic3A_25 = vector.broadcast %shift_right_arithmetic3A : i32 to vector<16xi32>
    %shift_right_arithmetic3A_26 = arith.shrsi %get3A_24, %shift_right_arithmetic3A_25 : vector<16xi32>
    %swap3A = arith.constant 0 : index
    %swap3A_27 = tpu.vector_load %arg6[%swap3A] {strides = array<i32>} : memref<128xi32, #tpu.memory_space<vmem>>, vector<16xi32>,
    %swap3A_28 = vector.shape_cast %swap3A_27 : vector<16xi32> to vector<16xi32>
    %swap3A_29 = vector.shape_cast %shift_right_arithmetic3A_26 : vector<16xi32> to vector<16xi32>
    tpu.vector_store %arg6[%swap3A], %swap3A_29 {strides = array<i32>} : memref<128xi32, #tpu.memory_space<vmem>>, vector<16xi32>,
    %and3A = arith.constant 65535 : i32
    %and3A_30 = vector.broadcast %and3A : i32 to vector<16xi32>
    %and3A_31 = arith.andi %get3A_24, %and3A_30 : vector<16xi32>
    %swap3A_32 = arith.constant 0 : index
    %swap3A_33 = tpu.vector_load %arg8[%swap3A_32] {strides = array<i32>} : memref<128xi32, #tpu.memory_space<vmem>>, vector<16xi32>,
    %swap3A_34 = vector.shape_cast %swap3A_33 : vector<16xi32> to vector<16xi32>
    %swap3A_35 = vector.shape_cast %and3A_31 : vector<16xi32> to vector<16xi32>
    tpu.vector_store %arg8[%swap3A_32], %swap3A_35 {strides = array<i32>} : memref<128xi32, #tpu.memory_space<vmem>>, vector<16xi32>,
    %get3A_36 = arith.constant 0 : i32
    %get3A_37 = arith.index_cast %get3A_36 : i32 to index
    %get3A_38 = arith.constant 16 : index
    %get3A_39 = tpu.vector_load %arg5[%get3A_37, %get3A_38] {strides = array<i32>} : memref<158x128xi32, #tpu.memory_space<vmem>>, vector<1x16xi32>,
    %get3A_40 = vector.shape_cast %get3A_39 : vector<1x16xi32> to vector<16xi32>
    %shift_right_arithmetic3A_41 = arith.constant 16 : i32
    %shift_right_arithmetic3A_42 = vector.broadcast %shift_right_arithmetic3A_41 : i32 to vector<16xi32>
    %shift_right_arithmetic3A_43 = arith.shrsi %get3A_40, %shift_right_arithmetic3A_42 : vector<16xi32>
    %swap3A_44 = arith.constant 16 : index
    %swap3A_45 = tpu.vector_load %arg6[%swap3A_44] {strides = array<i32>} : memref<128xi32, #tpu.memory_space<vmem>>, vector<16xi32>,
    %swap3A_46 = vector.shape_cast %swap3A_45 : vector<16xi32> to vector<16xi32>
    %swap3A_47 = vector.shape_cast %shift_right_arithmetic3A_43 : vector<16xi32> to vector<16xi32>
    tpu.vector_store %arg6[%swap3A_44], %swap3A_47 {strides = array<i32>} : memref<128xi32, #tpu.memory_space<vmem>>, vector<16xi32>,
    %and3A_48 = arith.constant 65535 : i32
    %and3A_49 = vector.broadcast %and3A_48 : i32 to vector<16xi32>
    %and3A_50 = arith.andi %get3A_40, %and3A_49 : vector<16xi32>
    %swap3A_51 = arith.constant 16 : index
    %swap3A_52 = tpu.vector_load %arg8[%swap3A_51] {strides = array<i32>} : memref<128xi32, #tpu.memory_space<vmem>>, vector<16xi32>,
    %swap3A_53 = vector.shape_cast %swap3A_52 : vector<16xi32> to vector<16xi32>
    %swap3A_54 = vector.shape_cast %and3A_50 : vector<16xi32> to vector<16xi32>
    tpu.vector_store %arg8[%swap3A_51], %swap3A_54 {strides = array<i32>} : memref<128xi32, #tpu.memory_space<vmem>>, vector<16xi32>,
    %get3A_55 = arith.constant 0 : i32
    %get3A_56 = arith.index_cast %get3A_55 : i32 to index
    %get3A_57 = arith.constant 32 : index
    %get3A_58 = tpu.vector_load %arg5[%get3A_56, %get3A_57] {strides = array<i32>} : memref<158x128xi32, #tpu.memory_space<vmem>>, vector<1x16xi32>,
    %get3A_59 = vector.shape_cast %get3A_58 : vector<1x16xi32> to vector<16xi32>
    %shift_right_arithmetic3A_60 = arith.constant 16 : i32
    %shift_right_arithmetic3A_61 = vector.broadcast %shift_right_arithmetic3A_60 : i32 to vector<16xi32>
    %shift_right_arithmetic3A_62 = arith.shrsi %get3A_59, %shift_right_arithmetic3A_61 : vector<16xi32>
    %swap3A_63 = arith.constant 32 : index
    %swap3A_64 = tpu.vector_load %arg6[%swap3A_63] {strides = array<i32>} : memref<128xi32, #tpu.memory_space<vmem>>, vector<16xi32>,
    %swap3A_65 = vector.shape_cast %swap3A_64 : vector<16xi32> to vector<16xi32>
    %swap3A_66 = vector.shape_cast %shift_right_arithmetic3A_62 : vector<16xi32> to vector<16xi32>
    tpu.vector_store %arg6[%swap3A_63], %swap3A_66 {strides = array<i32>} : memref<128xi32, #tpu.memory_space<vmem>>, vector<16xi32>,
    %and3A_67 = arith.constant 65535 : i32
    %and3A_68 = vector.broadcast %and3A_67 : i32 to vector<16xi32>
    %and3A_69 = arith.andi %get3A_59, %and3A_68 : vector<16xi32>
    %swap3A_70 = arith.constant 32 : index
    %swap3A_71 = tpu.vector_load %arg8[%swap3A_70] {strides = array<i32>} : memref<128xi32, #tpu.memory_space<vmem>>, vector<16xi32>,
    %swap3A_72 = vector.shape_cast %swap3A_71 : vector<16xi32> to vector<16xi32>
    %swap3A_73 = vector.shape_cast %and3A_69 : vector<16xi32> to vector<16xi32>
    tpu.vector_store %arg8[%swap3A_70], %swap3A_73 {strides = array<i32>} : memref<128xi32, #tpu.memory_space<vmem>>, vector<16xi32>,
    %get3A_74 = arith.constant 0 : i32
    %get3A_75 = arith.index_cast %get3A_74 : i32 to index
    %get3A_76 = arith.constant 48 : index
    %get3A_77 = tpu.vector_load %arg5[%get3A_75, %get3A_76] {strides = array<i32>} : memref<158x128xi32, #tpu.memory_space<vmem>>, vector<1x16xi32>,
    %get3A_78 = vector.shape_cast %get3A_77 : vector<1x16xi32> to vector<16xi32>
    %shift_right_arithmetic3A_79 = arith.constant 16 : i32
    %shift_right_arithmetic3A_80 = vector.broadcast %shift_right_arithmetic3A_79 : i32 to vector<16xi32>
    %shift_right_arithmetic3A_81 = arith.shrsi %get3A_78, %shift_right_arithmetic3A_80 : vector<16xi32>
    %swap3A_82 = arith.constant 48 : index
    %swap3A_83 = tpu.vector_load %arg6[%swap3A_82] {strides = array<i32>} : memref<128xi32, #tpu.memory_space<vmem>>, vector<16xi32>,
    %swap3A_84 = vector.shape_cast %swap3A_83 : vector<16xi32> to vector<16xi32>
    %swap3A_85 = vector.shape_cast %shift_right_arithmetic3A_81 : vector<16xi32> to vector<16xi32>
    tpu.vector_store %arg6[%swap3A_82], %swap3A_85 {strides = array<i32>} : memref<128xi32, #tpu.memory_space<vmem>>, vector<16xi32>,
    %and3A_86 = arith.constant 65535 : i32
    %and3A_87 = vector.broadcast %and3A_86 : i32 to vector<16xi32>
    %and3A_88 = arith.andi %get3A_78, %and3A_87 : vector<16xi32>
    %swap3A_89 = arith.constant 48 : index
    %swap3A_90 = tpu.vector_load %arg8[%swap3A_89] {strides = array<i32>} : memref<128xi32, #tpu.memory_space<vmem>>, vector<16xi32>,
    %swap3A_91 = vector.shape_cast %swap3A_90 : vector<16xi32> to vector<16xi32>
    %swap3A_92 = vector.shape_cast %and3A_88 : vector<16xi32> to vector<16xi32>
    tpu.vector_store %arg8[%swap3A_89], %swap3A_92 {strides = array<i32>} : memref<128xi32, #tpu.memory_space<vmem>>, vector<16xi32>,
    %get3A_93 = arith.constant 0 : i32
    %get3A_94 = arith.index_cast %get3A_93 : i32 to index
    %get3A_95 = arith.constant 64 : index
    %get3A_96 = tpu.vector_load %arg5[%get3A_94, %get3A_95] {strides = array<i32>} : memref<158x128xi32, #tpu.memory_space<vmem>>, vector<1x16xi32>,
    %get3A_97 = vector.shape_cast %get3A_96 : vector<1x16xi32> to vector<16xi32>
    %shift_right_arithmetic3A_98 = arith.constant 16 : i32
    %shift_right_arithmetic3A_99 = vector.broadcast %shift_right_arithmetic3A_98 : i32 to vector<16xi32>
    %shift_right_arithmetic3A_100 = arith.shrsi %get3A_97, %shift_right_arithmetic3A_99 : vector<16xi32>
    %swap3A_101 = arith.constant 64 : index
    %swap3A_102 = tpu.vector_load %arg6[%swap3A_101] {strides = array<i32>} : memref<128xi32, #tpu.memory_space<vmem>>, vector<16xi32>,
    %swap3A_103 = vector.shape_cast %swap3A_102 : vector<16xi32> to vector<16xi32>
    %swap3A_104 = vector.shape_cast %shift_right_arithmetic3A_100 : vector<16xi32> to vector<16xi32>
    tpu.vector_store %arg6[%swap3A_101], %swap3A_104 {strides = array<i32>} : memref<128xi32, #tpu.memory_space<vmem>>, vector<16xi32>,
    %and3A_105 = arith.constant 65535 : i32
    %and3A_106 = vector.broadcast %and3A_105 : i32 to vector<16xi32>
    %and3A_107 = arith.andi %get3A_97, %and3A_106 : vector<16xi32>
    %swap3A_108 = arith.constant 64 : index
    %swap3A_109 = tpu.vector_load %arg8[%swap3A_108] {strides = array<i32>} : memref<128xi32, #tpu.memory_space<vmem>>, vector<16xi32>,
    %swap3A_110 = vector.shape_cast %swap3A_109 : vector<16xi32> to vector<16xi32>
    %swap3A_111 = vector.shape_cast %and3A_107 : vector<16xi32> to vector<16xi32>
    tpu.vector_store %arg8[%swap3A_108], %swap3A_111 {strides = array<i32>} : memref<128xi32, #tpu.memory_space<vmem>>, vector<16xi32>,
    %get3A_112 = arith.constant 0 : i32
    %get3A_113 = arith.index_cast %get3A_112 : i32 to index
    %get3A_114 = arith.constant 80 : index
    %get3A_115 = tpu.vector_load %arg5[%get3A_113, %get3A_114] {strides = array<i32>} : memref<158x128xi32, #tpu.memory_space<vmem>>, vector<1x16xi32>,
    %get3A_116 = vector.shape_cast %get3A_115 : vector<1x16xi32> to vector<16xi32>
    %shift_right_arithmetic3A_117 = arith.constant 16 : i32
    %shift_right_arithmetic3A_118 = vector.broadcast %shift_right_arithmetic3A_117 : i32 to vector<16xi32>
    %shift_right_arithmetic3A_119 = arith.shrsi %get3A_116, %shift_right_arithmetic3A_118 : vector<16xi32>
    %swap3A_120 = arith.constant 80 : index
    %swap3A_121 = tpu.vector_load %arg6[%swap3A_120] {strides = array<i32>} : memref<128xi32, #tpu.memory_space<vmem>>, vector<16xi32>,
    %swap3A_122 = vector.shape_cast %swap3A_121 : vector<16xi32> to vector<16xi32>
    %swap3A_123 = vector.shape_cast %shift_right_arithmetic3A_119 : vector<16xi32> to vector<16xi32>
    tpu.vector_store %arg6[%swap3A_120], %swap3A_123 {strides = array<i32>} : memref<128xi32, #tpu.memory_space<vmem>>, vector<16xi32>,
    %and3A_124 = arith.constant 65535 : i32
    %and3A_125 = vector.broadcast %and3A_124 : i32 to vector<16xi32>
    %and3A_126 = arith.andi %get3A_116, %and3A_125 : vector<16xi32>
    %swap3A_127 = arith.constant 80 : index
    %swap3A_128 = tpu.vector_load %arg8[%swap3A_127] {strides = array<i32>} : memref<128xi32, #tpu.memory_space<vmem>>, vector<16xi32>,
    %swap3A_129 = vector.shape_cast %swap3A_128 : vector<16xi32> to vector<16xi32>
    %swap3A_130 = vector.shape_cast %and3A_126 : vector<16xi32> to vector<16xi32>
    tpu.vector_store %arg8[%swap3A_127], %swap3A_130 {strides = array<i32>} : memref<128xi32, #tpu.memory_space<vmem>>, vector<16xi32>,
    %get3A_131 = arith.constant 0 : i32
    %get3A_132 = arith.index_cast %get3A_131 : i32 to index
    %get3A_133 = arith.constant 96 : index
    %get3A_134 = tpu.vector_load %arg5[%get3A_132, %get3A_133] {strides = array<i32>} : memref<158x128xi32, #tpu.memory_space<vmem>>, vector<1x16xi32>,
    %get3A_135 = vector.shape_cast %get3A_134 : vector<1x16xi32> to vector<16xi32>
    %shift_right_arithmetic3A_136 = arith.constant 16 : i32
    %shift_right_arithmetic3A_137 = vector.broadcast %shift_right_arithmetic3A_136 : i32 to vector<16xi32>
    %shift_right_arithmetic3A_138 = arith.shrsi %get3A_135, %shift_right_arithmetic3A_137 : vector<16xi32>
    %swap3A_139 = arith.constant 96 : index
    %swap3A_140 = tpu.vector_load %arg6[%swap3A_139] {strides = array<i32>} : memref<128xi32, #tpu.memory_space<vmem>>, vector<16xi32>,
    %swap3A_141 = vector.shape_cast %swap3A_140 : vector<16xi32> to vector<16xi32>
    %swap3A_142 = vector.shape_cast %shift_right_arithmetic3A_138 : vector<16xi32> to vector<16xi32>
    tpu.vector_store %arg6[%swap3A_139], %swap3A_142 {strides = array<i32>} : memref<128xi32, #tpu.memory_space<vmem>>, vector<16xi32>,
    %and3A_143 = arith.constant 65535 : i32
    %and3A_144 = vector.broadcast %and3A_143 : i32 to vector<16xi32>
    %and3A_145 = arith.andi %get3A_135, %and3A_144 : vector<16xi32>
    %swap3A_146 = arith.constant 96 : index
    %swap3A_147 = tpu.vector_load %arg8[%swap3A_146] {strides = array<i32>} : memref<128xi32, #tpu.memory_space<vmem>>, vector<16xi32>,
    %swap3A_148 = vector.shape_cast %swap3A_147 : vector<16xi32> to vector<16xi32>
    %swap3A_149 = vector.shape_cast %and3A_145 : vector<16xi32> to vector<16xi32>
    tpu.vector_store %arg8[%swap3A_146], %swap3A_149 {strides = array<i32>} : memref<128xi32, #tpu.memory_space<vmem>>, vector<16xi32>,
    %get3A_150 = arith.constant 0 : i32
    %get3A_151 = arith.index_cast %get3A_150 : i32 to index
    %get3A_152 = arith.constant 112 : index
    %get3A_153 = tpu.vector_load %arg5[%get3A_151, %get3A_152] {strides = array<i32>} : memref<158x128xi32, #tpu.memory_space<vmem>>, vector<1x16xi32>,
    %get3A_154 = vector.shape_cast %get3A_153 : vector<1x16xi32> to vector<16xi32>
    %shift_right_arithmetic3A_155 = arith.constant 16 : i32
    %shift_right_arithmetic3A_156 = vector.broadcast %shift_right_arithmetic3A_155 : i32 to vector<16xi32>
    %shift_right_arithmetic3A_157 = arith.shrsi %get3A_154, %shift_right_arithmetic3A_156 : vector<16xi32>
    %swap3A_158 = arith.constant 112 : index
    %swap3A_159 = tpu.vector_load %arg6[%swap3A_158] {strides = array<i32>} : memref<128xi32, #tpu.memory_space<vmem>>, vector<16xi32>,
    %swap3A_160 = vector.shape_cast %swap3A_159 : vector<16xi32> to vector<16xi32>
    %swap3A_161 = vector.shape_cast %shift_right_arithmetic3A_157 : vector<16xi32> to vector<16xi32>
    tpu.vector_store %arg6[%swap3A_158], %swap3A_161 {strides = array<i32>} : memref<128xi32, #tpu.memory_space<vmem>>, vector<16xi32>,
    %and3A_162 = arith.constant 65535 : i32
    %and3A_163 = vector.broadcast %and3A_162 : i32 to vector<16xi32>
    %and3A_164 = arith.andi %get3A_154, %and3A_163 : vector<16xi32>
    %swap3A_165 = arith.constant 112 : index
    %swap3A_166 = tpu.vector_load %arg8[%swap3A_165] {strides = array<i32>} : memref<128xi32, #tpu.memory_space<vmem>>, vector<16xi32>,
    %swap3A_167 = vector.shape_cast %swap3A_166 : vector<16xi32> to vector<16xi32>
    %swap3A_168 = vector.shape_cast %and3A_164 : vector<16xi32> to vector<16xi32>
    tpu.vector_store %arg8[%swap3A_165], %swap3A_168 {strides = array<i32>} : memref<128xi32, #tpu.memory_space<vmem>>, vector<16xi32>,
    %dma_start3A_169 = arith.constant 0 : i32
    %dma_start3A_170 = arith.constant 0 : i32
    %dma_start3A_171 = tpu.memref_slice %arg16[%dma_start3A_169, %dma_start3A_170] : memref<10112x32xf32, #tpu.memory_space<vmem_shared>> -> memref<10112x32xf32, #tpu.memory_space<vmem_shared>>
    tpu.enqueue_indirect_dma source(%dma_start3A_171 : memref<10112x32xf32, #tpu.memory_space<vmem_shared>>) target(%arg10 : memref<128x32xf32, #tpu.memory_space<vmem>>) offsets(%arg8 : memref<128xi32, #tpu.memory_space<vmem>>) semaphore(%arg17 : memref<!tpu.dma_semaphore, #tpu.memory_space<semaphore_mem>>)
    %dma_start3A_172 = arith.constant 0 : i32
    %dma_start3A_173 = arith.constant 0 : i32
    %dma_start3A_174 = tpu.memref_slice %arg16[%dma_start3A_172, %dma_start3A_173] : memref<10112x32xf32, #tpu.memory_space<vmem_shared>> -> memref<10112x32xf32, #tpu.memory_space<vmem_shared>>
    tpu.enqueue_indirect_dma source(%dma_start3A_174 : memref<10112x32xf32, #tpu.memory_space<vmem_shared>>) target(%arg12 : memref<128x32xf32, #tpu.memory_space<vmem>>) offsets(%arg6 : memref<128xi32, #tpu.memory_space<vmem>>) semaphore(%arg18 : memref<!tpu.dma_semaphore, #tpu.memory_space<semaphore_mem>>)
    %get3A_175 = arith.constant 1 : i32
    %get3A_176 = arith.index_cast %get3A_175 : i32 to index
    %get3A_177 = arith.constant 0 : index
    %get3A_178 = tpu.vector_load %arg5[%get3A_176, %get3A_177] {strides = array<i32>} : memref<158x128xi32, #tpu.memory_space<vmem>>, vector<1x16xi32>,
    %get3A_179 = vector.shape_cast %get3A_178 : vector<1x16xi32> to vector<16xi32>
    %shift_right_arithmetic3A_180 = arith.constant 16 : i32
    %shift_right_arithmetic3A_181 = vector.broadcast %shift_right_arithmetic3A_180 : i32 to vector<16xi32>
    %shift_right_arithmetic3A_182 = arith.shrsi %get3A_179, %shift_right_arithmetic3A_181 : vector<16xi32>
    %swap3A_183 = arith.constant 0 : index
    %swap3A_184 = tpu.vector_load %arg7[%swap3A_183] {strides = array<i32>} : memref<128xi32, #tpu.memory_space<vmem>>, vector<16xi32>,
    %swap3A_185 = vector.shape_cast %swap3A_184 : vector<16xi32> to vector<16xi32>
    %swap3A_186 = vector.shape_cast %shift_right_arithmetic3A_182 : vector<16xi32> to vector<16xi32>
    tpu.vector_store %arg7[%swap3A_183], %swap3A_186 {strides = array<i32>} : memref<128xi32, #tpu.memory_space<vmem>>, vector<16xi32>,
    %and3A_187 = arith.constant 65535 : i32
    %and3A_188 = vector.broadcast %and3A_187 : i32 to vector<16xi32>
    %and3A_189 = arith.andi %get3A_179, %and3A_188 : vector<16xi32>
    %swap3A_190 = arith.constant 0 : index
    %swap3A_191 = tpu.vector_load %arg9[%swap3A_190] {strides = array<i32>} : memref<128xi32, #tpu.memory_space<vmem>>, vector<16xi32>,
    %swap3A_192 = vector.shape_cast %swap3A_191 : vector<16xi32> to vector<16xi32>
    %swap3A_193 = vector.shape_cast %and3A_189 : vector<16xi32> to vector<16xi32>
    tpu.vector_store %arg9[%swap3A_190], %swap3A_193 {strides = array<i32>} : memref<128xi32, #tpu.memory_space<vmem>>, vector<16xi32>,
    %get3A_194 = arith.constant 1 : i32
    %get3A_195 = arith.index_cast %get3A_194 : i32 to index
    %get3A_196 = arith.constant 16 : index
    %get3A_197 = tpu.vector_load %arg5[%get3A_195, %get3A_196] {strides = array<i32>} : memref<158x128xi32, #tpu.memory_space<vmem>>, vector<1x16xi32>,
    %get3A_198 = vector.shape_cast %get3A_197 : vector<1x16xi32> to vector<16xi32>
    %shift_right_arithmetic3A_199 = arith.constant 16 : i32
    %shift_right_arithmetic3A_200 = vector.broadcast %shift_right_arithmetic3A_199 : i32 to vector<16xi32>
    %shift_right_arithmetic3A_201 = arith.shrsi %get3A_198, %shift_right_arithmetic3A_200 : vector<16xi32>
    %swap3A_202 = arith.constant 16 : index
    %swap3A_203 = tpu.vector_load %arg7[%swap3A_202] {strides = array<i32>} : memref<128xi32, #tpu.memory_space<vmem>>, vector<16xi32>,
    %swap3A_204 = vector.shape_cast %swap3A_203 : vector<16xi32> to vector<16xi32>
    %swap3A_205 = vector.shape_cast %shift_right_arithmetic3A_201 : vector<16xi32> to vector<16xi32>
    tpu.vector_store %arg7[%swap3A_202], %swap3A_205 {strides = array<i32>} : memref<128xi32, #tpu.memory_space<vmem>>, vector<16xi32>,
    %and3A_206 = arith.constant 65535 : i32
    %and3A_207 = vector.broadcast %and3A_206 : i32 to vector<16xi32>
    %and3A_208 = arith.andi %get3A_198, %and3A_207 : vector<16xi32>
    %swap3A_209 = arith.constant 16 : index
    %swap3A_210 = tpu.vector_load %arg9[%swap3A_209] {strides = array<i32>} : memref<128xi32, #tpu.memory_space<vmem>>, vector<16xi32>,
    %swap3A_211 = vector.shape_cast %swap3A_210 : vector<16xi32> to vector<16xi32>
    %swap3A_212 = vector.shape_cast %and3A_208 : vector<16xi32> to vector<16xi32>
    tpu.vector_store %arg9[%swap3A_209], %swap3A_212 {strides = array<i32>} : memref<128xi32, #tpu.memory_space<vmem>>, vector<16xi32>,
    %get3A_213 = arith.constant 1 : i32
    %get3A_214 = arith.index_cast %get3A_213 : i32 to index
    %get3A_215 = arith.constant 32 : index
    %get3A_216 = tpu.vector_load %arg5[%get3A_214, %get3A_215] {strides = array<i32>} : memref<158x128xi32, #tpu.memory_space<vmem>>, vector<1x16xi32>,
    %get3A_217 = vector.shape_cast %get3A_216 : vector<1x16xi32> to vector<16xi32>
    %shift_right_arithmetic3A_218 = arith.constant 16 : i32
    %shift_right_arithmetic3A_219 = vector.broadcast %shift_right_arithmetic3A_218 : i32 to vector<16xi32>
    %shift_right_arithmetic3A_220 = arith.shrsi %get3A_217, %shift_right_arithmetic3A_219 : vector<16xi32>
    %swap3A_221 = arith.constant 32 : index
    %swap3A_222 = tpu.vector_load %arg7[%swap3A_221] {strides = array<i32>} : memref<128xi32, #tpu.memory_space<vmem>>, vector<16xi32>,
    %swap3A_223 = vector.shape_cast %swap3A_222 : vector<16xi32> to vector<16xi32>
    %swap3A_224 = vector.shape_cast %shift_right_arithmetic3A_220 : vector<16xi32> to vector<16xi32>
    tpu.vector_store %arg7[%swap3A_221], %swap3A_224 {strides = array<i32>} : memref<128xi32, #tpu.memory_space<vmem>>, vector<16xi32>,
    %and3A_225 = arith.constant 65535 : i32
    %and3A_226 = vector.broadcast %and3A_225 : i32 to vector<16xi32>
    %and3A_227 = arith.andi %get3A_217, %and3A_226 : vector<16xi32>
    %swap3A_228 = arith.constant 32 : index
    %swap3A_229 = tpu.vector_load %arg9[%swap3A_228] {strides = array<i32>} : memref<128xi32, #tpu.memory_space<vmem>>, vector<16xi32>,
    %swap3A_230 = vector.shape_cast %swap3A_229 : vector<16xi32> to vector<16xi32>
    %swap3A_231 = vector.shape_cast %and3A_227 : vector<16xi32> to vector<16xi32>
    tpu.vector_store %arg9[%swap3A_228], %swap3A_231 {strides = array<i32>} : memref<128xi32, #tpu.memory_space<vmem>>, vector<16xi32>,
    %get3A_232 = arith.constant 1 : i32
    %get3A_233 = arith.index_cast %get3A_232 : i32 to index
    %get3A_234 = arith.constant 48 : index
    %get3A_235 = tpu.vector_load %arg5[%get3A_233, %get3A_234] {strides = array<i32>} : memref<158x128xi32, #tpu.memory_space<vmem>>, vector<1x16xi32>,
    %get3A_236 = vector.shape_cast %get3A_235 : vector<1x16xi32> to vector<16xi32>
    %shift_right_arithmetic3A_237 = arith.constant 16 : i32
    %shift_right_arithmetic3A_238 = vector.broadcast %shift_right_arithmetic3A_237 : i32 to vector<16xi32>
    %shift_right_arithmetic3A_239 = arith.shrsi %get3A_236, %shift_right_arithmetic3A_238 : vector<16xi32>
    %swap3A_240 = arith.constant 48 : index
    %swap3A_241 = tpu.vector_load %arg7[%swap3A_240] {strides = array<i32>} : memref<128xi32, #tpu.memory_space<vmem>>, vector<16xi32>,
    %swap3A_242 = vector.shape_cast %swap3A_241 : vector<16xi32> to vector<16xi32>
    %swap3A_243 = vector.shape_cast %shift_right_arithmetic3A_239 : vector<16xi32> to vector<16xi32>
    tpu.vector_store %arg7[%swap3A_240], %swap3A_243 {strides = array<i32>} : memref<128xi32, #tpu.memory_space<vmem>>, vector<16xi32>,
    %and3A_244 = arith.constant 65535 : i32
    %and3A_245 = vector.broadcast %and3A_244 : i32 to vector<16xi32>
    %and3A_246 = arith.andi %get3A_236, %and3A_245 : vector<16xi32>
    %swap3A_247 = arith.constant 48 : index
    %swap3A_248 = tpu.vector_load %arg9[%swap3A_247] {strides = array<i32>} : memref<128xi32, #tpu.memory_space<vmem>>, vector<16xi32>,
    %swap3A_249 = vector.shape_cast %swap3A_248 : vector<16xi32> to vector<16xi32>
    %swap3A_250 = vector.shape_cast %and3A_246 : vector<16xi32> to vector<16xi32>
    tpu.vector_store %arg9[%swap3A_247], %swap3A_250 {strides = array<i32>} : memref<128xi32, #tpu.memory_space<vmem>>, vector<16xi32>,
    %get3A_251 = arith.constant 1 : i32
    %get3A_252 = arith.index_cast %get3A_251 : i32 to index
    %get3A_253 = arith.constant 64 : index
    %get3A_254 = tpu.vector_load %arg5[%get3A_252, %get3A_253] {strides = array<i32>} : memref<158x128xi32, #tpu.memory_space<vmem>>, vector<1x16xi32>,
    %get3A_255 = vector.shape_cast %get3A_254 : vector<1x16xi32> to vector<16xi32>
    %shift_right_arithmetic3A_256 = arith.constant 16 : i32
    %shift_right_arithmetic3A_257 = vector.broadcast %shift_right_arithmetic3A_256 : i32 to vector<16xi32>
    %shift_right_arithmetic3A_258 = arith.shrsi %get3A_255, %shift_right_arithmetic3A_257 : vector<16xi32>
    %swap3A_259 = arith.constant 64 : index
    %swap3A_260 = tpu.vector_load %arg7[%swap3A_259] {strides = array<i32>} : memref<128xi32, #tpu.memory_space<vmem>>, vector<16xi32>,
    %swap3A_261 = vector.shape_cast %swap3A_260 : vector<16xi32> to vector<16xi32>
    %swap3A_262 = vector.shape_cast %shift_right_arithmetic3A_258 : vector<16xi32> to vector<16xi32>
    tpu.vector_store %arg7[%swap3A_259], %swap3A_262 {strides = array<i32>} : memref<128xi32, #tpu.memory_space<vmem>>, vector<16xi32>,
    %and3A_263 = arith.constant 65535 : i32
    %and3A_264 = vector.broadcast %and3A_263 : i32 to vector<16xi32>
    %and3A_265 = arith.andi %get3A_255, %and3A_264 : vector<16xi32>
    %swap3A_266 = arith.constant 64 : index
    %swap3A_267 = tpu.vector_load %arg9[%swap3A_266] {strides = array<i32>} : memref<128xi32, #tpu.memory_space<vmem>>, vector<16xi32>,
    %swap3A_268 = vector.shape_cast %swap3A_267 : vector<16xi32> to vector<16xi32>
    %swap3A_269 = vector.shape_cast %and3A_265 : vector<16xi32> to vector<16xi32>
    tpu.vector_store %arg9[%swap3A_266], %swap3A_269 {strides = array<i32>} : memref<128xi32, #tpu.memory_space<vmem>>, vector<16xi32>,
    %get3A_270 = arith.constant 1 : i32
    %get3A_271 = arith.index_cast %get3A_270 : i32 to index
    %get3A_272 = arith.constant 80 : index
    %get3A_273 = tpu.vector_load %arg5[%get3A_271, %get3A_272] {strides = array<i32>} : memref<158x128xi32, #tpu.memory_space<vmem>>, vector<1x16xi32>,
    %get3A_274 = vector.shape_cast %get3A_273 : vector<1x16xi32> to vector<16xi32>
    %shift_right_arithmetic3A_275 = arith.constant 16 : i32
    %shift_right_arithmetic3A_276 = vector.broadcast %shift_right_arithmetic3A_275 : i32 to vector<16xi32>
    %shift_right_arithmetic3A_277 = arith.shrsi %get3A_274, %shift_right_arithmetic3A_276 : vector<16xi32>
    %swap3A_278 = arith.constant 80 : index
    %swap3A_279 = tpu.vector_load %arg7[%swap3A_278] {strides = array<i32>} : memref<128xi32, #tpu.memory_space<vmem>>, vector<16xi32>,
    %swap3A_280 = vector.shape_cast %swap3A_279 : vector<16xi32> to vector<16xi32>
    %swap3A_281 = vector.shape_cast %shift_right_arithmetic3A_277 : vector<16xi32> to vector<16xi32>
    tpu.vector_store %arg7[%swap3A_278], %swap3A_281 {strides = array<i32>} : memref<128xi32, #tpu.memory_space<vmem>>, vector<16xi32>,
    %and3A_282 = arith.constant 65535 : i32
    %and3A_283 = vector.broadcast %and3A_282 : i32 to vector<16xi32>
    %and3A_284 = arith.andi %get3A_274, %and3A_283 : vector<16xi32>
    %swap3A_285 = arith.constant 80 : index
    %swap3A_286 = tpu.vector_load %arg9[%swap3A_285] {strides = array<i32>} : memref<128xi32, #tpu.memory_space<vmem>>, vector<16xi32>,
    %swap3A_287 = vector.shape_cast %swap3A_286 : vector<16xi32> to vector<16xi32>
    %swap3A_288 = vector.shape_cast %and3A_284 : vector<16xi32> to vector<16xi32>
    tpu.vector_store %arg9[%swap3A_285], %swap3A_288 {strides = array<i32>} : memref<128xi32, #tpu.memory_space<vmem>>, vector<16xi32>,
    %get3A_289 = arith.constant 1 : i32
    %get3A_290 = arith.index_cast %get3A_289 : i32 to index
    %get3A_291 = arith.constant 96 : index
    %get3A_292 = tpu.vector_load %arg5[%get3A_290, %get3A_291] {strides = array<i32>} : memref<158x128xi32, #tpu.memory_space<vmem>>, vector<1x16xi32>,
    %get3A_293 = vector.shape_cast %get3A_292 : vector<1x16xi32> to vector<16xi32>
    %shift_right_arithmetic3A_294 = arith.constant 16 : i32
    %shift_right_arithmetic3A_295 = vector.broadcast %shift_right_arithmetic3A_294 : i32 to vector<16xi32>
    %shift_right_arithmetic3A_296 = arith.shrsi %get3A_293, %shift_right_arithmetic3A_295 : vector<16xi32>
    %swap3A_297 = arith.constant 96 : index
    %swap3A_298 = tpu.vector_load %arg7[%swap3A_297] {strides = array<i32>} : memref<128xi32, #tpu.memory_space<vmem>>, vector<16xi32>,
    %swap3A_299 = vector.shape_cast %swap3A_298 : vector<16xi32> to vector<16xi32>
    %swap3A_300 = vector.shape_cast %shift_right_arithmetic3A_296 : vector<16xi32> to vector<16xi32>
    tpu.vector_store %arg7[%swap3A_297], %swap3A_300 {strides = array<i32>} : memref<128xi32, #tpu.memory_space<vmem>>, vector<16xi32>,
    %and3A_301 = arith.constant 65535 : i32
    %and3A_302 = vector.broadcast %and3A_301 : i32 to vector<16xi32>
    %and3A_303 = arith.andi %get3A_293, %and3A_302 : vector<16xi32>
    %swap3A_304 = arith.constant 96 : index
    %swap3A_305 = tpu.vector_load %arg9[%swap3A_304] {strides = array<i32>} : memref<128xi32, #tpu.memory_space<vmem>>, vector<16xi32>,
    %swap3A_306 = vector.shape_cast %swap3A_305 : vector<16xi32> to vector<16xi32>
    %swap3A_307 = vector.shape_cast %and3A_303 : vector<16xi32> to vector<16xi32>
    tpu.vector_store %arg9[%swap3A_304], %swap3A_307 {strides = array<i32>} : memref<128xi32, #tpu.memory_space<vmem>>, vector<16xi32>,
    %get3A_308 = arith.constant 1 : i32
    %get3A_309 = arith.index_cast %get3A_308 : i32 to index
    %get3A_310 = arith.constant 112 : index
    %get3A_311 = tpu.vector_load %arg5[%get3A_309, %get3A_310] {strides = array<i32>} : memref<158x128xi32, #tpu.memory_space<vmem>>, vector<1x16xi32>,
    %get3A_312 = vector.shape_cast %get3A_311 : vector<1x16xi32> to vector<16xi32>
    %shift_right_arithmetic3A_313 = arith.constant 16 : i32
    %shift_right_arithmetic3A_314 = vector.broadcast %shift_right_arithmetic3A_313 : i32 to vector<16xi32>
    %shift_right_arithmetic3A_315 = arith.shrsi %get3A_312, %shift_right_arithmetic3A_314 : vector<16xi32>
    %swap3A_316 = arith.constant 112 : index
    %swap3A_317 = tpu.vector_load %arg7[%swap3A_316] {strides = array<i32>} : memref<128xi32, #tpu.memory_space<vmem>>, vector<16xi32>,
    %swap3A_318 = vector.shape_cast %swap3A_317 : vector<16xi32> to vector<16xi32>
    %swap3A_319 = vector.shape_cast %shift_right_arithmetic3A_315 : vector<16xi32> to vector<16xi32>
    tpu.vector_store %arg7[%swap3A_316], %swap3A_319 {strides = array<i32>} : memref<128xi32, #tpu.memory_space<vmem>>, vector<16xi32>,
    %and3A_320 = arith.constant 65535 : i32
    %and3A_321 = vector.broadcast %and3A_320 : i32 to vector<16xi32>
    %and3A_322 = arith.andi %get3A_312, %and3A_321 : vector<16xi32>
    %swap3A_323 = arith.constant 112 : index
    %swap3A_324 = tpu.vector_load %arg9[%swap3A_323] {strides = array<i32>} : memref<128xi32, #tpu.memory_space<vmem>>, vector<16xi32>,
    %swap3A_325 = vector.shape_cast %swap3A_324 : vector<16xi32> to vector<16xi32>
    %swap3A_326 = vector.shape_cast %and3A_322 : vector<16xi32> to vector<16xi32>
    tpu.vector_store %arg9[%swap3A_323], %swap3A_326 {strides = array<i32>} : memref<128xi32, #tpu.memory_space<vmem>>, vector<16xi32>,
    %dma_start3A_327 = arith.constant 0 : i32
    %dma_start3A_328 = arith.constant 0 : i32
    %dma_start3A_329 = tpu.memref_slice %arg16[%dma_start3A_327, %dma_start3A_328] : memref<10112x32xf32, #tpu.memory_space<vmem_shared>> -> memref<10112x32xf32, #tpu.memory_space<vmem_shared>>
    tpu.enqueue_indirect_dma source(%dma_start3A_329 : memref<10112x32xf32, #tpu.memory_space<vmem_shared>>) target(%arg11 : memref<128x32xf32, #tpu.memory_space<vmem>>) offsets(%arg9 : memref<128xi32, #tpu.memory_space<vmem>>) semaphore(%arg19 : memref<!tpu.dma_semaphore, #tpu.memory_space<semaphore_mem>>)
    %dma_start3A_330 = arith.constant 0 : i32
    %dma_start3A_331 = arith.constant 0 : i32
    %dma_start3A_332 = tpu.memref_slice %arg16[%dma_start3A_330, %dma_start3A_331] : memref<10112x32xf32, #tpu.memory_space<vmem_shared>> -> memref<10112x32xf32, #tpu.memory_space<vmem_shared>>
    tpu.enqueue_indirect_dma source(%dma_start3A_332 : memref<10112x32xf32, #tpu.memory_space<vmem_shared>>) target(%arg13 : memref<128x32xf32, #tpu.memory_space<vmem>>) offsets(%arg7 : memref<128xi32, #tpu.memory_space<vmem>>) semaphore(%arg20 : memref<!tpu.dma_semaphore, #tpu.memory_space<semaphore_mem>>)
    %scan3A_333 = arith.constant 0 : i32
    %scan3A_334 = arith.constant 79 : i32
    %scan3A_335 = arith.addi %scan3A_333, %scan3A_334 : i32
    %scan3A_336 = arith.constant 1 : i32
    scf.for %scan3A_339 = %scan3A_333 to %scan3A_335 step %scan3A_336  : i32 {
      %mul3A_340 = arith.constant 2 : i32
      %mul3A_341 = arith.muli %scan3A_339, %mul3A_340 : i32
      %add3A = arith.constant 0 : i32
      %add3A_342 = arith.addi %mul3A_341, %add3A : i32
      %dma_wait3A_343 = arith.constant 0 : i32
      %dma_wait3A_344 = arith.constant 0 : i32
      %dma_wait3A_345 = tpu.memref_slice %arg16[%dma_wait3A_343, %dma_wait3A_344] : memref<10112x32xf32, #tpu.memory_space<vmem_shared>> -> memref<10112x32xf32, #tpu.memory_space<vmem_shared>>
      tpu.wait_indirect_dma semaphore(%arg17 : memref<!tpu.dma_semaphore, #tpu.memory_space<semaphore_mem>>) src(%dma_wait3A_345 : memref<10112x32xf32, #tpu.memory_space<vmem_shared>>) dst(%arg10 : memref<128x32xf32, #tpu.memory_space<vmem>>)
      "tpu.region"() ({
        %run_scoped3A = tpu.sem_alloc : memref<!tpu.dma_semaphore, #tpu.memory_space<semaphore_mem>>
        %dma_start3A_368 = arith.constant 0 : i32
        %dma_start3A_369 = arith.constant 0 : i32
        %dma_start3A_370 = tpu.memref_slice %arg15[%dma_start3A_368, %dma_start3A_369] : memref<10112x32xf32, #tpu.memory_space<vmem_shared>> -> memref<10112x32xf32, #tpu.memory_space<vmem_shared>>
        tpu.enqueue_indirect_dma source(%arg10 : memref<128x32xf32, #tpu.memory_space<vmem>>) target(%dma_start3A_370 : memref<10112x32xf32, #tpu.memory_space<vmem_shared>>) offsets(%arg6 : memref<128xi32, #tpu.memory_space<vmem>>) semaphore(%run_scoped3A : memref<!tpu.dma_semaphore, #tpu.memory_space<semaphore_mem>>) {add = true}
        %dma_wait3A_371 = arith.constant 0 : i32
        %dma_wait3A_372 = arith.constant 0 : i32
        %dma_wait3A_373 = tpu.memref_slice %arg15[%dma_wait3A_371, %dma_wait3A_372] : memref<10112x32xf32, #tpu.memory_space<vmem_shared>> -> memref<10112x32xf32, #tpu.memory_space<vmem_shared>>
        tpu.wait_indirect_dma semaphore(%run_scoped3A : memref<!tpu.dma_semaphore, #tpu.memory_space<semaphore_mem>>) src(%arg10 : memref<128x32xf32, #tpu.memory_space<vmem>>) dst(%dma_wait3A_373 : memref<10112x32xf32, #tpu.memory_space<vmem_shared>>)
        tpu.yield
      }) : () -> ()
      %dma_wait3A_346 = arith.constant 0 : i32
      %dma_wait3A_347 = arith.constant 0 : i32
      %dma_wait3A_348 = tpu.memref_slice %arg16[%dma_wait3A_346, %dma_wait3A_347] : memref<10112x32xf32, #tpu.memory_space<vmem_shared>> -> memref<10112x32xf32, #tpu.memory_space<vmem_shared>>
      tpu.wait_indirect_dma semaphore(%arg18 : memref<!tpu.dma_semaphore, #tpu.memory_space<semaphore_mem>>) src(%dma_wait3A_348 : memref<10112x32xf32, #tpu.memory_space<vmem_shared>>) dst(%arg12 : memref<128x32xf32, #tpu.memory_space<vmem>>)
      "tpu.region"() ({
        %run_scoped3A = tpu.sem_alloc : memref<!tpu.dma_semaphore, #tpu.memory_space<semaphore_mem>>
        %dma_start3A_368 = arith.constant 0 : i32
        %dma_start3A_369 = arith.constant 0 : i32
        %dma_start3A_370 = tpu.memref_slice %arg15[%dma_start3A_368, %dma_start3A_369] : memref<10112x32xf32, #tpu.memory_space<vmem_shared>> -> memref<10112x32xf32, #tpu.memory_space<vmem_shared>>
        tpu.enqueue_indirect_dma source(%arg12 : memref<128x32xf32, #tpu.memory_space<vmem>>) target(%dma_start3A_370 : memref<10112x32xf32, #tpu.memory_space<vmem_shared>>) offsets(%arg8 : memref<128xi32, #tpu.memory_space<vmem>>) semaphore(%run_scoped3A : memref<!tpu.dma_semaphore, #tpu.memory_space<semaphore_mem>>) {add = true}
        %dma_wait3A_371 = arith.constant 0 : i32
        %dma_wait3A_372 = arith.constant 0 : i32
        %dma_wait3A_373 = tpu.memref_slice %arg15[%dma_wait3A_371, %dma_wait3A_372] : memref<10112x32xf32, #tpu.memory_space<vmem_shared>> -> memref<10112x32xf32, #tpu.memory_space<vmem_shared>>
        tpu.wait_indirect_dma semaphore(%run_scoped3A : memref<!tpu.dma_semaphore, #tpu.memory_space<semaphore_mem>>) src(%arg12 : memref<128x32xf32, #tpu.memory_space<vmem>>) dst(%dma_wait3A_373 : memref<10112x32xf32, #tpu.memory_space<vmem_shared>>)
        tpu.yield
      }) : () -> ()
      %add3A_349 = arith.constant 2 : i32
      %add3A_350 = arith.addi %add3A_342, %add3A_349 : i32
      %lt3A = arith.constant 158 : i32
      %lt3A_351 = arith.cmpi slt, %add3A_350, %lt3A : i32
      %convert_element_type3A = arith.extui %lt3A_351 : i1 to i32
      %cond3A = arith.constant 0 : i32
      %cond3A_352 = arith.cmpi ne, %convert_element_type3A, %cond3A : i32
      scf.if %cond3A_352 {
        %add3A_368 = arith.constant 2 : i32
        %add3A_369 = arith.addi %add3A_342, %add3A_368 : i32
        %get3A_370 = arith.index_cast %add3A_369 : i32 to index
        %get3A_371 = arith.constant 0 : index
        %get3A_372 = tpu.vector_load %arg5[%get3A_370, %get3A_371] {strides = array<i32>} : memref<158x128xi32, #tpu.memory_space<vmem>>, vector<1x16xi32>,
        %get3A_373 = vector.shape_cast %get3A_372 : vector<1x16xi32> to vector<16xi32>
        %shift_right_arithmetic3A_374 = arith.constant 16 : i32
        %shift_right_arithmetic3A_375 = vector.broadcast %shift_right_arithmetic3A_374 : i32 to vector<16xi32>
        %shift_right_arithmetic3A_376 = arith.shrsi %get3A_373, %shift_right_arithmetic3A_375 : vector<16xi32>
        %swap3A_377 = arith.constant 0 : index
        %swap3A_378 = tpu.vector_load %arg6[%swap3A_377] {strides = array<i32>} : memref<128xi32, #tpu.memory_space<vmem>>, vector<16xi32>,
        %swap3A_379 = vector.shape_cast %swap3A_378 : vector<16xi32> to vector<16xi32>
        %swap3A_380 = vector.shape_cast %shift_right_arithmetic3A_376 : vector<16xi32> to vector<16xi32>
        tpu.vector_store %arg6[%swap3A_377], %swap3A_380 {strides = array<i32>} : memref<128xi32, #tpu.memory_space<vmem>>, vector<16xi32>,
        %and3A_381 = arith.constant 65535 : i32
        %and3A_382 = vector.broadcast %and3A_381 : i32 to vector<16xi32>
        %and3A_383 = arith.andi %get3A_373, %and3A_382 : vector<16xi32>
        %swap3A_384 = arith.constant 0 : index
        %swap3A_385 = tpu.vector_load %arg8[%swap3A_384] {strides = array<i32>} : memref<128xi32, #tpu.memory_space<vmem>>, vector<16xi32>,
        %swap3A_386 = vector.shape_cast %swap3A_385 : vector<16xi32> to vector<16xi32>
        %swap3A_387 = vector.shape_cast %and3A_383 : vector<16xi32> to vector<16xi32>
        tpu.vector_store %arg8[%swap3A_384], %swap3A_387 {strides = array<i32>} : memref<128xi32, #tpu.memory_space<vmem>>, vector<16xi32>,
        %get3A_388 = arith.index_cast %add3A_369 : i32 to index
        %get3A_389 = arith.constant 16 : index
        %get3A_390 = tpu.vector_load %arg5[%get3A_388, %get3A_389] {strides = array<i32>} : memref<158x128xi32, #tpu.memory_space<vmem>>, vector<1x16xi32>,
        %get3A_391 = vector.shape_cast %get3A_390 : vector<1x16xi32> to vector<16xi32>
        %shift_right_arithmetic3A_392 = arith.constant 16 : i32
        %shift_right_arithmetic3A_393 = vector.broadcast %shift_right_arithmetic3A_392 : i32 to vector<16xi32>
        %shift_right_arithmetic3A_394 = arith.shrsi %get3A_391, %shift_right_arithmetic3A_393 : vector<16xi32>
        %swap3A_395 = arith.constant 16 : index
        %swap3A_396 = tpu.vector_load %arg6[%swap3A_395] {strides = array<i32>} : memref<128xi32, #tpu.memory_space<vmem>>, vector<16xi32>,
        %swap3A_397 = vector.shape_cast %swap3A_396 : vector<16xi32> to vector<16xi32>
        %swap3A_398 = vector.shape_cast %shift_right_arithmetic3A_394 : vector<16xi32> to vector<16xi32>
        tpu.vector_store %arg6[%swap3A_395], %swap3A_398 {strides = array<i32>} : memref<128xi32, #tpu.memory_space<vmem>>, vector<16xi32>,
        %and3A_399 = arith.constant 65535 : i32
        %and3A_400 = vector.broadcast %and3A_399 : i32 to vector<16xi32>
        %and3A_401 = arith.andi %get3A_391, %and3A_400 : vector<16xi32>
        %swap3A_402 = arith.constant 16 : index
        %swap3A_403 = tpu.vector_load %arg8[%swap3A_402] {strides = array<i32>} : memref<128xi32, #tpu.memory_space<vmem>>, vector<16xi32>,
        %swap3A_404 = vector.shape_cast %swap3A_403 : vector<16xi32> to vector<16xi32>
        %swap3A_405 = vector.shape_cast %and3A_401 : vector<16xi32> to vector<16xi32>
        tpu.vector_store %arg8[%swap3A_402], %swap3A_405 {strides = array<i32>} : memref<128xi32, #tpu.memory_space<vmem>>, vector<16xi32>,
        %get3A_406 = arith.index_cast %add3A_369 : i32 to index
        %get3A_407 = arith.constant 32 : index
        %get3A_408 = tpu.vector_load %arg5[%get3A_406, %get3A_407] {strides = array<i32>} : memref<158x128xi32, #tpu.memory_space<vmem>>, vector<1x16xi32>,
        %get3A_409 = vector.shape_cast %get3A_408 : vector<1x16xi32> to vector<16xi32>
        %shift_right_arithmetic3A_410 = arith.constant 16 : i32
        %shift_right_arithmetic3A_411 = vector.broadcast %shift_right_arithmetic3A_410 : i32 to vector<16xi32>
        %shift_right_arithmetic3A_412 = arith.shrsi %get3A_409, %shift_right_arithmetic3A_411 : vector<16xi32>
        %swap3A_413 = arith.constant 32 : index
        %swap3A_414 = tpu.vector_load %arg6[%swap3A_413] {strides = array<i32>} : memref<128xi32, #tpu.memory_space<vmem>>, vector<16xi32>,
        %swap3A_415 = vector.shape_cast %swap3A_414 : vector<16xi32> to vector<16xi32>
        %swap3A_416 = vector.shape_cast %shift_right_arithmetic3A_412 : vector<16xi32> to vector<16xi32>
        tpu.vector_store %arg6[%swap3A_413], %swap3A_416 {strides = array<i32>} : memref<128xi32, #tpu.memory_space<vmem>>, vector<16xi32>,
        %and3A_417 = arith.constant 65535 : i32
        %and3A_418 = vector.broadcast %and3A_417 : i32 to vector<16xi32>
        %and3A_419 = arith.andi %get3A_409, %and3A_418 : vector<16xi32>
        %swap3A_420 = arith.constant 32 : index
        %swap3A_421 = tpu.vector_load %arg8[%swap3A_420] {strides = array<i32>} : memref<128xi32, #tpu.memory_space<vmem>>, vector<16xi32>,
        %swap3A_422 = vector.shape_cast %swap3A_421 : vector<16xi32> to vector<16xi32>
        %swap3A_423 = vector.shape_cast %and3A_419 : vector<16xi32> to vector<16xi32>
        tpu.vector_store %arg8[%swap3A_420], %swap3A_423 {strides = array<i32>} : memref<128xi32, #tpu.memory_space<vmem>>, vector<16xi32>,
        %get3A_424 = arith.index_cast %add3A_369 : i32 to index
        %get3A_425 = arith.constant 48 : index
        %get3A_426 = tpu.vector_load %arg5[%get3A_424, %get3A_425] {strides = array<i32>} : memref<158x128xi32, #tpu.memory_space<vmem>>, vector<1x16xi32>,
        %get3A_427 = vector.shape_cast %get3A_426 : vector<1x16xi32> to vector<16xi32>
        %shift_right_arithmetic3A_428 = arith.constant 16 : i32
        %shift_right_arithmetic3A_429 = vector.broadcast %shift_right_arithmetic3A_428 : i32 to vector<16xi32>
        %shift_right_arithmetic3A_430 = arith.shrsi %get3A_427, %shift_right_arithmetic3A_429 : vector<16xi32>
        %swap3A_431 = arith.constant 48 : index
        %swap3A_432 = tpu.vector_load %arg6[%swap3A_431] {strides = array<i32>} : memref<128xi32, #tpu.memory_space<vmem>>, vector<16xi32>,
        %swap3A_433 = vector.shape_cast %swap3A_432 : vector<16xi32> to vector<16xi32>
        %swap3A_434 = vector.shape_cast %shift_right_arithmetic3A_430 : vector<16xi32> to vector<16xi32>
        tpu.vector_store %arg6[%swap3A_431], %swap3A_434 {strides = array<i32>} : memref<128xi32, #tpu.memory_space<vmem>>, vector<16xi32>,
        %and3A_435 = arith.constant 65535 : i32
        %and3A_436 = vector.broadcast %and3A_435 : i32 to vector<16xi32>
        %and3A_437 = arith.andi %get3A_427, %and3A_436 : vector<16xi32>
        %swap3A_438 = arith.constant 48 : index
        %swap3A_439 = tpu.vector_load %arg8[%swap3A_438] {strides = array<i32>} : memref<128xi32, #tpu.memory_space<vmem>>, vector<16xi32>,
        %swap3A_440 = vector.shape_cast %swap3A_439 : vector<16xi32> to vector<16xi32>
        %swap3A_441 = vector.shape_cast %and3A_437 : vector<16xi32> to vector<16xi32>
        tpu.vector_store %arg8[%swap3A_438], %swap3A_441 {strides = array<i32>} : memref<128xi32, #tpu.memory_space<vmem>>, vector<16xi32>,
        %get3A_442 = arith.index_cast %add3A_369 : i32 to index
        %get3A_443 = arith.constant 64 : index
        %get3A_444 = tpu.vector_load %arg5[%get3A_442, %get3A_443] {strides = array<i32>} : memref<158x128xi32, #tpu.memory_space<vmem>>, vector<1x16xi32>,
        %get3A_445 = vector.shape_cast %get3A_444 : vector<1x16xi32> to vector<16xi32>
        %shift_right_arithmetic3A_446 = arith.constant 16 : i32
        %shift_right_arithmetic3A_447 = vector.broadcast %shift_right_arithmetic3A_446 : i32 to vector<16xi32>
        %shift_right_arithmetic3A_448 = arith.shrsi %get3A_445, %shift_right_arithmetic3A_447 : vector<16xi32>
        %swap3A_449 = arith.constant 64 : index
        %swap3A_450 = tpu.vector_load %arg6[%swap3A_449] {strides = array<i32>} : memref<128xi32, #tpu.memory_space<vmem>>, vector<16xi32>,
        %swap3A_451 = vector.shape_cast %swap3A_450 : vector<16xi32> to vector<16xi32>
        %swap3A_452 = vector.shape_cast %shift_right_arithmetic3A_448 : vector<16xi32> to vector<16xi32>
        tpu.vector_store %arg6[%swap3A_449], %swap3A_452 {strides = array<i32>} : memref<128xi32, #tpu.memory_space<vmem>>, vector<16xi32>,
        %and3A_453 = arith.constant 65535 : i32
        %and3A_454 = vector.broadcast %and3A_453 : i32 to vector<16xi32>
        %and3A_455 = arith.andi %get3A_445, %and3A_454 : vector<16xi32>
        %swap3A_456 = arith.constant 64 : index
        %swap3A_457 = tpu.vector_load %arg8[%swap3A_456] {strides = array<i32>} : memref<128xi32, #tpu.memory_space<vmem>>, vector<16xi32>,
        %swap3A_458 = vector.shape_cast %swap3A_457 : vector<16xi32> to vector<16xi32>
        %swap3A_459 = vector.shape_cast %and3A_455 : vector<16xi32> to vector<16xi32>
        tpu.vector_store %arg8[%swap3A_456], %swap3A_459 {strides = array<i32>} : memref<128xi32, #tpu.memory_space<vmem>>, vector<16xi32>,
        %get3A_460 = arith.index_cast %add3A_369 : i32 to index
        %get3A_461 = arith.constant 80 : index
        %get3A_462 = tpu.vector_load %arg5[%get3A_460, %get3A_461] {strides = array<i32>} : memref<158x128xi32, #tpu.memory_space<vmem>>, vector<1x16xi32>,
        %get3A_463 = vector.shape_cast %get3A_462 : vector<1x16xi32> to vector<16xi32>
        %shift_right_arithmetic3A_464 = arith.constant 16 : i32
        %shift_right_arithmetic3A_465 = vector.broadcast %shift_right_arithmetic3A_464 : i32 to vector<16xi32>
        %shift_right_arithmetic3A_466 = arith.shrsi %get3A_463, %shift_right_arithmetic3A_465 : vector<16xi32>
        %swap3A_467 = arith.constant 80 : index
        %swap3A_468 = tpu.vector_load %arg6[%swap3A_467] {strides = array<i32>} : memref<128xi32, #tpu.memory_space<vmem>>, vector<16xi32>,
        %swap3A_469 = vector.shape_cast %swap3A_468 : vector<16xi32> to vector<16xi32>
        %swap3A_470 = vector.shape_cast %shift_right_arithmetic3A_466 : vector<16xi32> to vector<16xi32>
        tpu.vector_store %arg6[%swap3A_467], %swap3A_470 {strides = array<i32>} : memref<128xi32, #tpu.memory_space<vmem>>, vector<16xi32>,
        %and3A_471 = arith.constant 65535 : i32
        %and3A_472 = vector.broadcast %and3A_471 : i32 to vector<16xi32>
        %and3A_473 = arith.andi %get3A_463, %and3A_472 : vector<16xi32>
        %swap3A_474 = arith.constant 80 : index
        %swap3A_475 = tpu.vector_load %arg8[%swap3A_474] {strides = array<i32>} : memref<128xi32, #tpu.memory_space<vmem>>, vector<16xi32>,
        %swap3A_476 = vector.shape_cast %swap3A_475 : vector<16xi32> to vector<16xi32>
        %swap3A_477 = vector.shape_cast %and3A_473 : vector<16xi32> to vector<16xi32>
        tpu.vector_store %arg8[%swap3A_474], %swap3A_477 {strides = array<i32>} : memref<128xi32, #tpu.memory_space<vmem>>, vector<16xi32>,
        %get3A_478 = arith.index_cast %add3A_369 : i32 to index
        %get3A_479 = arith.constant 96 : index
        %get3A_480 = tpu.vector_load %arg5[%get3A_478, %get3A_479] {strides = array<i32>} : memref<158x128xi32, #tpu.memory_space<vmem>>, vector<1x16xi32>,
        %get3A_481 = vector.shape_cast %get3A_480 : vector<1x16xi32> to vector<16xi32>
        %shift_right_arithmetic3A_482 = arith.constant 16 : i32
        %shift_right_arithmetic3A_483 = vector.broadcast %shift_right_arithmetic3A_482 : i32 to vector<16xi32>
        %shift_right_arithmetic3A_484 = arith.shrsi %get3A_481, %shift_right_arithmetic3A_483 : vector<16xi32>
        %swap3A_485 = arith.constant 96 : index
        %swap3A_486 = tpu.vector_load %arg6[%swap3A_485] {strides = array<i32>} : memref<128xi32, #tpu.memory_space<vmem>>, vector<16xi32>,
        %swap3A_487 = vector.shape_cast %swap3A_486 : vector<16xi32> to vector<16xi32>
        %swap3A_488 = vector.shape_cast %shift_right_arithmetic3A_484 : vector<16xi32> to vector<16xi32>
        tpu.vector_store %arg6[%swap3A_485], %swap3A_488 {strides = array<i32>} : memref<128xi32, #tpu.memory_space<vmem>>, vector<16xi32>,
        %and3A_489 = arith.constant 65535 : i32
        %and3A_490 = vector.broadcast %and3A_489 : i32 to vector<16xi32>
        %and3A_491 = arith.andi %get3A_481, %and3A_490 : vector<16xi32>
        %swap3A_492 = arith.constant 96 : index
        %swap3A_493 = tpu.vector_load %arg8[%swap3A_492] {strides = array<i32>} : memref<128xi32, #tpu.memory_space<vmem>>, vector<16xi32>,
        %swap3A_494 = vector.shape_cast %swap3A_493 : vector<16xi32> to vector<16xi32>
        %swap3A_495 = vector.shape_cast %and3A_491 : vector<16xi32> to vector<16xi32>
        tpu.vector_store %arg8[%swap3A_492], %swap3A_495 {strides = array<i32>} : memref<128xi32, #tpu.memory_space<vmem>>, vector<16xi32>,
        %get3A_496 = arith.index_cast %add3A_369 : i32 to index
        %get3A_497 = arith.constant 112 : index
        %get3A_498 = tpu.vector_load %arg5[%get3A_496, %get3A_497] {strides = array<i32>} : memref<158x128xi32, #tpu.memory_space<vmem>>, vector<1x16xi32>,
        %get3A_499 = vector.shape_cast %get3A_498 : vector<1x16xi32> to vector<16xi32>
        %shift_right_arithmetic3A_500 = arith.constant 16 : i32
        %shift_right_arithmetic3A_501 = vector.broadcast %shift_right_arithmetic3A_500 : i32 to vector<16xi32>
        %shift_right_arithmetic3A_502 = arith.shrsi %get3A_499, %shift_right_arithmetic3A_501 : vector<16xi32>
        %swap3A_503 = arith.constant 112 : index
        %swap3A_504 = tpu.vector_load %arg6[%swap3A_503] {strides = array<i32>} : memref<128xi32, #tpu.memory_space<vmem>>, vector<16xi32>,
        %swap3A_505 = vector.shape_cast %swap3A_504 : vector<16xi32> to vector<16xi32>
        %swap3A_506 = vector.shape_cast %shift_right_arithmetic3A_502 : vector<16xi32> to vector<16xi32>
        tpu.vector_store %arg6[%swap3A_503], %swap3A_506 {strides = array<i32>} : memref<128xi32, #tpu.memory_space<vmem>>, vector<16xi32>,
        %and3A_507 = arith.constant 65535 : i32
        %and3A_508 = vector.broadcast %and3A_507 : i32 to vector<16xi32>
        %and3A_509 = arith.andi %get3A_499, %and3A_508 : vector<16xi32>
        %swap3A_510 = arith.constant 112 : index
        %swap3A_511 = tpu.vector_load %arg8[%swap3A_510] {strides = array<i32>} : memref<128xi32, #tpu.memory_space<vmem>>, vector<16xi32>,
        %swap3A_512 = vector.shape_cast %swap3A_511 : vector<16xi32> to vector<16xi32>
        %swap3A_513 = vector.shape_cast %and3A_509 : vector<16xi32> to vector<16xi32>
        tpu.vector_store %arg8[%swap3A_510], %swap3A_513 {strides = array<i32>} : memref<128xi32, #tpu.memory_space<vmem>>, vector<16xi32>,
        %add3A_514 = arith.constant 2 : i32
        %add3A_515 = arith.addi %add3A_342, %add3A_514 : i32
        %dma_start3A_516 = arith.constant 0 : i32
        %dma_start3A_517 = arith.constant 0 : i32
        %dma_start3A_518 = tpu.memref_slice %arg16[%dma_start3A_516, %dma_start3A_517] : memref<10112x32xf32, #tpu.memory_space<vmem_shared>> -> memref<10112x32xf32, #tpu.memory_space<vmem_shared>>
        tpu.enqueue_indirect_dma source(%dma_start3A_518 : memref<10112x32xf32, #tpu.memory_space<vmem_shared>>) target(%arg10 : memref<128x32xf32, #tpu.memory_space<vmem>>) offsets(%arg8 : memref<128xi32, #tpu.memory_space<vmem>>) semaphore(%arg17 : memref<!tpu.dma_semaphore, #tpu.memory_space<semaphore_mem>>)
        %dma_start3A_519 = arith.constant 0 : i32
        %dma_start3A_520 = arith.constant 0 : i32
        %dma_start3A_521 = tpu.memref_slice %arg16[%dma_start3A_519, %dma_start3A_520] : memref<10112x32xf32, #tpu.memory_space<vmem_shared>> -> memref<10112x32xf32, #tpu.memory_space<vmem_shared>>
        tpu.enqueue_indirect_dma source(%dma_start3A_521 : memref<10112x32xf32, #tpu.memory_space<vmem_shared>>) target(%arg12 : memref<128x32xf32, #tpu.memory_space<vmem>>) offsets(%arg6 : memref<128xi32, #tpu.memory_space<vmem>>) semaphore(%arg18 : memref<!tpu.dma_semaphore, #tpu.memory_space<semaphore_mem>>)
      } else {
      }
      %add3A_353 = arith.constant 1 : i32
      %add3A_354 = arith.addi %mul3A_341, %add3A_353 : i32
      %dma_wait3A_355 = arith.constant 0 : i32
      %dma_wait3A_356 = arith.constant 0 : i32
      %dma_wait3A_357 = tpu.memref_slice %arg16[%dma_wait3A_355, %dma_wait3A_356] : memref<10112x32xf32, #tpu.memory_space<vmem_shared>> -> memref<10112x32xf32, #tpu.memory_space<vmem_shared>>
      tpu.wait_indirect_dma semaphore(%arg19 : memref<!tpu.dma_semaphore, #tpu.memory_space<semaphore_mem>>) src(%dma_wait3A_357 : memref<10112x32xf32, #tpu.memory_space<vmem_shared>>) dst(%arg11 : memref<128x32xf32, #tpu.memory_space<vmem>>)
      "tpu.region"() ({
        %run_scoped3A = tpu.sem_alloc : memref<!tpu.dma_semaphore, #tpu.memory_space<semaphore_mem>>
        %dma_start3A_368 = arith.constant 0 : i32
        %dma_start3A_369 = arith.constant 0 : i32
        %dma_start3A_370 = tpu.memref_slice %arg15[%dma_start3A_368, %dma_start3A_369] : memref<10112x32xf32, #tpu.memory_space<vmem_shared>> -> memref<10112x32xf32, #tpu.memory_space<vmem_shared>>
        tpu.enqueue_indirect_dma source(%arg11 : memref<128x32xf32, #tpu.memory_space<vmem>>) target(%dma_start3A_370 : memref<10112x32xf32, #tpu.memory_space<vmem_shared>>) offsets(%arg7 : memref<128xi32, #tpu.memory_space<vmem>>) semaphore(%run_scoped3A : memref<!tpu.dma_semaphore, #tpu.memory_space<semaphore_mem>>) {add = true}
        %dma_wait3A_371 = arith.constant 0 : i32
        %dma_wait3A_372 = arith.constant 0 : i32
        %dma_wait3A_373 = tpu.memref_slice %arg15[%dma_wait3A_371, %dma_wait3A_372] : memref<10112x32xf32, #tpu.memory_space<vmem_shared>> -> memref<10112x32xf32, #tpu.memory_space<vmem_shared>>
        tpu.wait_indirect_dma semaphore(%run_scoped3A : memref<!tpu.dma_semaphore, #tpu.memory_space<semaphore_mem>>) src(%arg11 : memref<128x32xf32, #tpu.memory_space<vmem>>) dst(%dma_wait3A_373 : memref<10112x32xf32, #tpu.memory_space<vmem_shared>>)
        tpu.yield
      }) : () -> ()
      %dma_wait3A_358 = arith.constant 0 : i32
      %dma_wait3A_359 = arith.constant 0 : i32
      %dma_wait3A_360 = tpu.memref_slice %arg16[%dma_wait3A_358, %dma_wait3A_359] : memref<10112x32xf32, #tpu.memory_space<vmem_shared>> -> memref<10112x32xf32, #tpu.memory_space<vmem_shared>>
      tpu.wait_indirect_dma semaphore(%arg20 : memref<!tpu.dma_semaphore, #tpu.memory_space<semaphore_mem>>) src(%dma_wait3A_360 : memref<10112x32xf32, #tpu.memory_space<vmem_shared>>) dst(%arg13 : memref<128x32xf32, #tpu.memory_space<vmem>>)
      "tpu.region"() ({
        %run_scoped3A = tpu.sem_alloc : memref<!tpu.dma_semaphore, #tpu.memory_space<semaphore_mem>>
        %dma_start3A_368 = arith.constant 0 : i32
        %dma_start3A_369 = arith.constant 0 : i32
        %dma_start3A_370 = tpu.memref_slice %arg15[%dma_start3A_368, %dma_start3A_369] : memref<10112x32xf32, #tpu.memory_space<vmem_shared>> -> memref<10112x32xf32, #tpu.memory_space<vmem_shared>>
        tpu.enqueue_indirect_dma source(%arg13 : memref<128x32xf32, #tpu.memory_space<vmem>>) target(%dma_start3A_370 : memref<10112x32xf32, #tpu.memory_space<vmem_shared>>) offsets(%arg9 : memref<128xi32, #tpu.memory_space<vmem>>) semaphore(%run_scoped3A : memref<!tpu.dma_semaphore, #tpu.memory_space<semaphore_mem>>) {add = true}
        %dma_wait3A_371 = arith.constant 0 : i32
        %dma_wait3A_372 = arith.constant 0 : i32
        %dma_wait3A_373 = tpu.memref_slice %arg15[%dma_wait3A_371, %dma_wait3A_372] : memref<10112x32xf32, #tpu.memory_space<vmem_shared>> -> memref<10112x32xf32, #tpu.memory_space<vmem_shared>>
        tpu.wait_indirect_dma semaphore(%run_scoped3A : memref<!tpu.dma_semaphore, #tpu.memory_space<semaphore_mem>>) src(%arg13 : memref<128x32xf32, #tpu.memory_space<vmem>>) dst(%dma_wait3A_373 : memref<10112x32xf32, #tpu.memory_space<vmem_shared>>)
        tpu.yield
      }) : () -> ()
      %add3A_361 = arith.constant 2 : i32
      %add3A_362 = arith.addi %add3A_354, %add3A_361 : i32
      %lt3A_363 = arith.constant 158 : i32
      %lt3A_364 = arith.cmpi slt, %add3A_362, %lt3A_363 : i32
      %convert_element_type3A_365 = arith.extui %lt3A_364 : i1 to i32
      %cond3A_366 = arith.constant 0 : i32
      %cond3A_367 = arith.cmpi ne, %convert_element_type3A_365, %cond3A_366 : i32
      scf.if %cond3A_367 {
        %add3A_368 = arith.constant 2 : i32
        %add3A_369 = arith.addi %add3A_354, %add3A_368 : i32
        %get3A_370 = arith.index_cast %add3A_369 : i32 to index
        %get3A_371 = arith.constant 0 : index
        %get3A_372 = tpu.vector_load %arg5[%get3A_370, %get3A_371] {strides = array<i32>} : memref<158x128xi32, #tpu.memory_space<vmem>>, vector<1x16xi32>,
        %get3A_373 = vector.shape_cast %get3A_372 : vector<1x16xi32> to vector<16xi32>
        %shift_right_arithmetic3A_374 = arith.constant 16 : i32
        %shift_right_arithmetic3A_375 = vector.broadcast %shift_right_arithmetic3A_374 : i32 to vector<16xi32>
        %shift_right_arithmetic3A_376 = arith.shrsi %get3A_373, %shift_right_arithmetic3A_375 : vector<16xi32>
        %swap3A_377 = arith.constant 0 : index
        %swap3A_378 = tpu.vector_load %arg7[%swap3A_377] {strides = array<i32>} : memref<128xi32, #tpu.memory_space<vmem>>, vector<16xi32>,
        %swap3A_379 = vector.shape_cast %swap3A_378 : vector<16xi32> to vector<16xi32>
        %swap3A_380 = vector.shape_cast %shift_right_arithmetic3A_376 : vector<16xi32> to vector<16xi32>
        tpu.vector_store %arg7[%swap3A_377], %swap3A_380 {strides = array<i32>} : memref<128xi32, #tpu.memory_space<vmem>>, vector<16xi32>,
        %and3A_381 = arith.constant 65535 : i32
        %and3A_382 = vector.broadcast %and3A_381 : i32 to vector<16xi32>
        %and3A_383 = arith.andi %get3A_373, %and3A_382 : vector<16xi32>
        %swap3A_384 = arith.constant 0 : index
        %swap3A_385 = tpu.vector_load %arg9[%swap3A_384] {strides = array<i32>} : memref<128xi32, #tpu.memory_space<vmem>>, vector<16xi32>,
        %swap3A_386 = vector.shape_cast %swap3A_385 : vector<16xi32> to vector<16xi32>
        %swap3A_387 = vector.shape_cast %and3A_383 : vector<16xi32> to vector<16xi32>
        tpu.vector_store %arg9[%swap3A_384], %swap3A_387 {strides = array<i32>} : memref<128xi32, #tpu.memory_space<vmem>>, vector<16xi32>,
        %get3A_388 = arith.index_cast %add3A_369 : i32 to index
        %get3A_389 = arith.constant 16 : index
        %get3A_390 = tpu.vector_load %arg5[%get3A_388, %get3A_389] {strides = array<i32>} : memref<158x128xi32, #tpu.memory_space<vmem>>, vector<1x16xi32>,
        %get3A_391 = vector.shape_cast %get3A_390 : vector<1x16xi32> to vector<16xi32>
        %shift_right_arithmetic3A_392 = arith.constant 16 : i32
        %shift_right_arithmetic3A_393 = vector.broadcast %shift_right_arithmetic3A_392 : i32 to vector<16xi32>
        %shift_right_arithmetic3A_394 = arith.shrsi %get3A_391, %shift_right_arithmetic3A_393 : vector<16xi32>
        %swap3A_395 = arith.constant 16 : index
        %swap3A_396 = tpu.vector_load %arg7[%swap3A_395] {strides = array<i32>} : memref<128xi32, #tpu.memory_space<vmem>>, vector<16xi32>,
        %swap3A_397 = vector.shape_cast %swap3A_396 : vector<16xi32> to vector<16xi32>
        %swap3A_398 = vector.shape_cast %shift_right_arithmetic3A_394 : vector<16xi32> to vector<16xi32>
        tpu.vector_store %arg7[%swap3A_395], %swap3A_398 {strides = array<i32>} : memref<128xi32, #tpu.memory_space<vmem>>, vector<16xi32>,
        %and3A_399 = arith.constant 65535 : i32
        %and3A_400 = vector.broadcast %and3A_399 : i32 to vector<16xi32>
        %and3A_401 = arith.andi %get3A_391, %and3A_400 : vector<16xi32>
        %swap3A_402 = arith.constant 16 : index
        %swap3A_403 = tpu.vector_load %arg9[%swap3A_402] {strides = array<i32>} : memref<128xi32, #tpu.memory_space<vmem>>, vector<16xi32>,
        %swap3A_404 = vector.shape_cast %swap3A_403 : vector<16xi32> to vector<16xi32>
        %swap3A_405 = vector.shape_cast %and3A_401 : vector<16xi32> to vector<16xi32>
        tpu.vector_store %arg9[%swap3A_402], %swap3A_405 {strides = array<i32>} : memref<128xi32, #tpu.memory_space<vmem>>, vector<16xi32>,
        %get3A_406 = arith.index_cast %add3A_369 : i32 to index
        %get3A_407 = arith.constant 32 : index
        %get3A_408 = tpu.vector_load %arg5[%get3A_406, %get3A_407] {strides = array<i32>} : memref<158x128xi32, #tpu.memory_space<vmem>>, vector<1x16xi32>,
        %get3A_409 = vector.shape_cast %get3A_408 : vector<1x16xi32> to vector<16xi32>
        %shift_right_arithmetic3A_410 = arith.constant 16 : i32
        %shift_right_arithmetic3A_411 = vector.broadcast %shift_right_arithmetic3A_410 : i32 to vector<16xi32>
        %shift_right_arithmetic3A_412 = arith.shrsi %get3A_409, %shift_right_arithmetic3A_411 : vector<16xi32>
        %swap3A_413 = arith.constant 32 : index
        %swap3A_414 = tpu.vector_load %arg7[%swap3A_413] {strides = array<i32>} : memref<128xi32, #tpu.memory_space<vmem>>, vector<16xi32>,
        %swap3A_415 = vector.shape_cast %swap3A_414 : vector<16xi32> to vector<16xi32>
        %swap3A_416 = vector.shape_cast %shift_right_arithmetic3A_412 : vector<16xi32> to vector<16xi32>
        tpu.vector_store %arg7[%swap3A_413], %swap3A_416 {strides = array<i32>} : memref<128xi32, #tpu.memory_space<vmem>>, vector<16xi32>,
        %and3A_417 = arith.constant 65535 : i32
        %and3A_418 = vector.broadcast %and3A_417 : i32 to vector<16xi32>
        %and3A_419 = arith.andi %get3A_409, %and3A_418 : vector<16xi32>
        %swap3A_420 = arith.constant 32 : index
        %swap3A_421 = tpu.vector_load %arg9[%swap3A_420] {strides = array<i32>} : memref<128xi32, #tpu.memory_space<vmem>>, vector<16xi32>,
        %swap3A_422 = vector.shape_cast %swap3A_421 : vector<16xi32> to vector<16xi32>
        %swap3A_423 = vector.shape_cast %and3A_419 : vector<16xi32> to vector<16xi32>
        tpu.vector_store %arg9[%swap3A_420], %swap3A_423 {strides = array<i32>} : memref<128xi32, #tpu.memory_space<vmem>>, vector<16xi32>,
        %get3A_424 = arith.index_cast %add3A_369 : i32 to index
        %get3A_425 = arith.constant 48 : index
        %get3A_426 = tpu.vector_load %arg5[%get3A_424, %get3A_425] {strides = array<i32>} : memref<158x128xi32, #tpu.memory_space<vmem>>, vector<1x16xi32>,
        %get3A_427 = vector.shape_cast %get3A_426 : vector<1x16xi32> to vector<16xi32>
        %shift_right_arithmetic3A_428 = arith.constant 16 : i32
        %shift_right_arithmetic3A_429 = vector.broadcast %shift_right_arithmetic3A_428 : i32 to vector<16xi32>
        %shift_right_arithmetic3A_430 = arith.shrsi %get3A_427, %shift_right_arithmetic3A_429 : vector<16xi32>
        %swap3A_431 = arith.constant 48 : index
        %swap3A_432 = tpu.vector_load %arg7[%swap3A_431] {strides = array<i32>} : memref<128xi32, #tpu.memory_space<vmem>>, vector<16xi32>,
        %swap3A_433 = vector.shape_cast %swap3A_432 : vector<16xi32> to vector<16xi32>
        %swap3A_434 = vector.shape_cast %shift_right_arithmetic3A_430 : vector<16xi32> to vector<16xi32>
        tpu.vector_store %arg7[%swap3A_431], %swap3A_434 {strides = array<i32>} : memref<128xi32, #tpu.memory_space<vmem>>, vector<16xi32>,
        %and3A_435 = arith.constant 65535 : i32
        %and3A_436 = vector.broadcast %and3A_435 : i32 to vector<16xi32>
        %and3A_437 = arith.andi %get3A_427, %and3A_436 : vector<16xi32>
        %swap3A_438 = arith.constant 48 : index
        %swap3A_439 = tpu.vector_load %arg9[%swap3A_438] {strides = array<i32>} : memref<128xi32, #tpu.memory_space<vmem>>, vector<16xi32>,
        %swap3A_440 = vector.shape_cast %swap3A_439 : vector<16xi32> to vector<16xi32>
        %swap3A_441 = vector.shape_cast %and3A_437 : vector<16xi32> to vector<16xi32>
        tpu.vector_store %arg9[%swap3A_438], %swap3A_441 {strides = array<i32>} : memref<128xi32, #tpu.memory_space<vmem>>, vector<16xi32>,
        %get3A_442 = arith.index_cast %add3A_369 : i32 to index
        %get3A_443 = arith.constant 64 : index
        %get3A_444 = tpu.vector_load %arg5[%get3A_442, %get3A_443] {strides = array<i32>} : memref<158x128xi32, #tpu.memory_space<vmem>>, vector<1x16xi32>,
        %get3A_445 = vector.shape_cast %get3A_444 : vector<1x16xi32> to vector<16xi32>
        %shift_right_arithmetic3A_446 = arith.constant 16 : i32
        %shift_right_arithmetic3A_447 = vector.broadcast %shift_right_arithmetic3A_446 : i32 to vector<16xi32>
        %shift_right_arithmetic3A_448 = arith.shrsi %get3A_445, %shift_right_arithmetic3A_447 : vector<16xi32>
        %swap3A_449 = arith.constant 64 : index
        %swap3A_450 = tpu.vector_load %arg7[%swap3A_449] {strides = array<i32>} : memref<128xi32, #tpu.memory_space<vmem>>, vector<16xi32>,
        %swap3A_451 = vector.shape_cast %swap3A_450 : vector<16xi32> to vector<16xi32>
        %swap3A_452 = vector.shape_cast %shift_right_arithmetic3A_448 : vector<16xi32> to vector<16xi32>
        tpu.vector_store %arg7[%swap3A_449], %swap3A_452 {strides = array<i32>} : memref<128xi32, #tpu.memory_space<vmem>>, vector<16xi32>,
        %and3A_453 = arith.constant 65535 : i32
        %and3A_454 = vector.broadcast %and3A_453 : i32 to vector<16xi32>
        %and3A_455 = arith.andi %get3A_445, %and3A_454 : vector<16xi32>
        %swap3A_456 = arith.constant 64 : index
        %swap3A_457 = tpu.vector_load %arg9[%swap3A_456] {strides = array<i32>} : memref<128xi32, #tpu.memory_space<vmem>>, vector<16xi32>,
        %swap3A_458 = vector.shape_cast %swap3A_457 : vector<16xi32> to vector<16xi32>
        %swap3A_459 = vector.shape_cast %and3A_455 : vector<16xi32> to vector<16xi32>
        tpu.vector_store %arg9[%swap3A_456], %swap3A_459 {strides = array<i32>} : memref<128xi32, #tpu.memory_space<vmem>>, vector<16xi32>,
        %get3A_460 = arith.index_cast %add3A_369 : i32 to index
        %get3A_461 = arith.constant 80 : index
        %get3A_462 = tpu.vector_load %arg5[%get3A_460, %get3A_461] {strides = array<i32>} : memref<158x128xi32, #tpu.memory_space<vmem>>, vector<1x16xi32>,
        %get3A_463 = vector.shape_cast %get3A_462 : vector<1x16xi32> to vector<16xi32>
        %shift_right_arithmetic3A_464 = arith.constant 16 : i32
        %shift_right_arithmetic3A_465 = vector.broadcast %shift_right_arithmetic3A_464 : i32 to vector<16xi32>
        %shift_right_arithmetic3A_466 = arith.shrsi %get3A_463, %shift_right_arithmetic3A_465 : vector<16xi32>
        %swap3A_467 = arith.constant 80 : index
        %swap3A_468 = tpu.vector_load %arg7[%swap3A_467] {strides = array<i32>} : memref<128xi32, #tpu.memory_space<vmem>>, vector<16xi32>,
        %swap3A_469 = vector.shape_cast %swap3A_468 : vector<16xi32> to vector<16xi32>
        %swap3A_470 = vector.shape_cast %shift_right_arithmetic3A_466 : vector<16xi32> to vector<16xi32>
        tpu.vector_store %arg7[%swap3A_467], %swap3A_470 {strides = array<i32>} : memref<128xi32, #tpu.memory_space<vmem>>, vector<16xi32>,
        %and3A_471 = arith.constant 65535 : i32
        %and3A_472 = vector.broadcast %and3A_471 : i32 to vector<16xi32>
        %and3A_473 = arith.andi %get3A_463, %and3A_472 : vector<16xi32>
        %swap3A_474 = arith.constant 80 : index
        %swap3A_475 = tpu.vector_load %arg9[%swap3A_474] {strides = array<i32>} : memref<128xi32, #tpu.memory_space<vmem>>, vector<16xi32>,
        %swap3A_476 = vector.shape_cast %swap3A_475 : vector<16xi32> to vector<16xi32>
        %swap3A_477 = vector.shape_cast %and3A_473 : vector<16xi32> to vector<16xi32>
        tpu.vector_store %arg9[%swap3A_474], %swap3A_477 {strides = array<i32>} : memref<128xi32, #tpu.memory_space<vmem>>, vector<16xi32>,
        %get3A_478 = arith.index_cast %add3A_369 : i32 to index
        %get3A_479 = arith.constant 96 : index
        %get3A_480 = tpu.vector_load %arg5[%get3A_478, %get3A_479] {strides = array<i32>} : memref<158x128xi32, #tpu.memory_space<vmem>>, vector<1x16xi32>,
        %get3A_481 = vector.shape_cast %get3A_480 : vector<1x16xi32> to vector<16xi32>
        %shift_right_arithmetic3A_482 = arith.constant 16 : i32
        %shift_right_arithmetic3A_483 = vector.broadcast %shift_right_arithmetic3A_482 : i32 to vector<16xi32>
        %shift_right_arithmetic3A_484 = arith.shrsi %get3A_481, %shift_right_arithmetic3A_483 : vector<16xi32>
        %swap3A_485 = arith.constant 96 : index
        %swap3A_486 = tpu.vector_load %arg7[%swap3A_485] {strides = array<i32>} : memref<128xi32, #tpu.memory_space<vmem>>, vector<16xi32>,
        %swap3A_487 = vector.shape_cast %swap3A_486 : vector<16xi32> to vector<16xi32>
        %swap3A_488 = vector.shape_cast %shift_right_arithmetic3A_484 : vector<16xi32> to vector<16xi32>
        tpu.vector_store %arg7[%swap3A_485], %swap3A_488 {strides = array<i32>} : memref<128xi32, #tpu.memory_space<vmem>>, vector<16xi32>,
        %and3A_489 = arith.constant 65535 : i32
        %and3A_490 = vector.broadcast %and3A_489 : i32 to vector<16xi32>
        %and3A_491 = arith.andi %get3A_481, %and3A_490 : vector<16xi32>
        %swap3A_492 = arith.constant 96 : index
        %swap3A_493 = tpu.vector_load %arg9[%swap3A_492] {strides = array<i32>} : memref<128xi32, #tpu.memory_space<vmem>>, vector<16xi32>,
        %swap3A_494 = vector.shape_cast %swap3A_493 : vector<16xi32> to vector<16xi32>
        %swap3A_495 = vector.shape_cast %and3A_491 : vector<16xi32> to vector<16xi32>
        tpu.vector_store %arg9[%swap3A_492], %swap3A_495 {strides = array<i32>} : memref<128xi32, #tpu.memory_space<vmem>>, vector<16xi32>,
        %get3A_496 = arith.index_cast %add3A_369 : i32 to index
        %get3A_497 = arith.constant 112 : index
        %get3A_498 = tpu.vector_load %arg5[%get3A_496, %get3A_497] {strides = array<i32>} : memref<158x128xi32, #tpu.memory_space<vmem>>, vector<1x16xi32>,
        %get3A_499 = vector.shape_cast %get3A_498 : vector<1x16xi32> to vector<16xi32>
        %shift_right_arithmetic3A_500 = arith.constant 16 : i32
        %shift_right_arithmetic3A_501 = vector.broadcast %shift_right_arithmetic3A_500 : i32 to vector<16xi32>
        %shift_right_arithmetic3A_502 = arith.shrsi %get3A_499, %shift_right_arithmetic3A_501 : vector<16xi32>
        %swap3A_503 = arith.constant 112 : index
        %swap3A_504 = tpu.vector_load %arg7[%swap3A_503] {strides = array<i32>} : memref<128xi32, #tpu.memory_space<vmem>>, vector<16xi32>,
        %swap3A_505 = vector.shape_cast %swap3A_504 : vector<16xi32> to vector<16xi32>
        %swap3A_506 = vector.shape_cast %shift_right_arithmetic3A_502 : vector<16xi32> to vector<16xi32>
        tpu.vector_store %arg7[%swap3A_503], %swap3A_506 {strides = array<i32>} : memref<128xi32, #tpu.memory_space<vmem>>, vector<16xi32>,
        %and3A_507 = arith.constant 65535 : i32
        %and3A_508 = vector.broadcast %and3A_507 : i32 to vector<16xi32>
        %and3A_509 = arith.andi %get3A_499, %and3A_508 : vector<16xi32>
        %swap3A_510 = arith.constant 112 : index
        %swap3A_511 = tpu.vector_load %arg9[%swap3A_510] {strides = array<i32>} : memref<128xi32, #tpu.memory_space<vmem>>, vector<16xi32>,
        %swap3A_512 = vector.shape_cast %swap3A_511 : vector<16xi32> to vector<16xi32>
        %swap3A_513 = vector.shape_cast %and3A_509 : vector<16xi32> to vector<16xi32>
        tpu.vector_store %arg9[%swap3A_510], %swap3A_513 {strides = array<i32>} : memref<128xi32, #tpu.memory_space<vmem>>, vector<16xi32>,
        %add3A_514 = arith.constant 2 : i32
        %add3A_515 = arith.addi %add3A_354, %add3A_514 : i32
        %dma_start3A_516 = arith.constant 0 : i32
        %dma_start3A_517 = arith.constant 0 : i32
        %dma_start3A_518 = tpu.memref_slice %arg16[%dma_start3A_516, %dma_start3A_517] : memref<10112x32xf32, #tpu.memory_space<vmem_shared>> -> memref<10112x32xf32, #tpu.memory_space<vmem_shared>>
        tpu.enqueue_indirect_dma source(%dma_start3A_518 : memref<10112x32xf32, #tpu.memory_space<vmem_shared>>) target(%arg11 : memref<128x32xf32, #tpu.memory_space<vmem>>) offsets(%arg9 : memref<128xi32, #tpu.memory_space<vmem>>) semaphore(%arg19 : memref<!tpu.dma_semaphore, #tpu.memory_space<semaphore_mem>>)
        %dma_start3A_519 = arith.constant 0 : i32
        %dma_start3A_520 = arith.constant 0 : i32
        %dma_start3A_521 = tpu.memref_slice %arg16[%dma_start3A_519, %dma_start3A_520] : memref<10112x32xf32, #tpu.memory_space<vmem_shared>> -> memref<10112x32xf32, #tpu.memory_space<vmem_shared>>
        tpu.enqueue_indirect_dma source(%dma_start3A_521 : memref<10112x32xf32, #tpu.memory_space<vmem_shared>>) target(%arg13 : memref<128x32xf32, #tpu.memory_space<vmem>>) offsets(%arg7 : memref<128xi32, #tpu.memory_space<vmem>>) semaphore(%arg20 : memref<!tpu.dma_semaphore, #tpu.memory_space<semaphore_mem>>)
      } else {
      }
    }
    %scan3A_337 = arith.constant 79 : i32
    %barrier3A_338 = arith.constant 0 : index
    tpu.barrier barrier_id(%barrier3A_338)
    "tpu.region"() ({
      %run_scoped3A = tpu.sem_alloc : memref<!tpu.dma_semaphore, #tpu.memory_space<semaphore_mem>>
      %dma_start3A_339 = arith.constant 0 : i32
      %dma_start3A_340 = tpu.memref_slice %arg4[%arg0, %mul3A_7, %dma_start3A_339] : memref<2x10112x32xf32, #tpu.memory_space<hbm>> -> memref<1x632x32xf32, #tpu.memory_space<hbm>>
      %dma_start3A_341 = tpu.memref_squeeze %dma_start3A_340 : memref<1x632x32xf32, #tpu.memory_space<hbm>> -> memref<632x32xf32, #tpu.memory_space<hbm>>
      %dma_start3A_342 = arith.constant 0 : i32
      %dma_start3A_343 = tpu.memref_slice %arg15[%mul3A_7, %dma_start3A_342] : memref<10112x32xf32, #tpu.memory_space<vmem_shared>> -> memref<632x32xf32, #tpu.memory_space<vmem_shared>>
      tpu.enqueue_dma source(%dma_start3A_343 : memref<632x32xf32, #tpu.memory_space<vmem_shared>>) target(%dma_start3A_341 : memref<632x32xf32, #tpu.memory_space<hbm>>) target_semaphore(%run_scoped3A : memref<!tpu.dma_semaphore, #tpu.memory_space<semaphore_mem>>)
      %dma_wait3A_344 = arith.constant 0 : i32
      %dma_wait3A_345 = tpu.memref_slice %arg4[%arg0, %mul3A_7, %dma_wait3A_344] : memref<2x10112x32xf32, #tpu.memory_space<hbm>> -> memref<1x632x32xf32, #tpu.memory_space<hbm>>
      %dma_wait3A_346 = tpu.memref_squeeze %dma_wait3A_345 : memref<1x632x32xf32, #tpu.memory_space<hbm>> -> memref<632x32xf32, #tpu.memory_space<hbm>>
      %dma_wait3A_347 = arith.constant 0 : i32
      %dma_wait3A_348 = tpu.memref_slice %arg15[%mul3A_7, %dma_wait3A_347] : memref<10112x32xf32, #tpu.memory_space<vmem_shared>> -> memref<632x32xf32, #tpu.memory_space<vmem_shared>>
      tpu.wait_dma2 semaphore(%run_scoped3A : memref<!tpu.dma_semaphore, #tpu.memory_space<semaphore_mem>>) src(%dma_wait3A_348 : memref<632x32xf32, #tpu.memory_space<vmem_shared>>) dst(%dma_wait3A_346 : memref<632x32xf32, #tpu.memory_space<hbm>>)
      tpu.yield
    }) : () -> ()
    return
  }
}

module attributes {stable_mosaic.version = 14 : i64} {
  func.func @_proj_body(%arg0: i32, %arg1: memref<1000x128xf32, #tpu.memory_space<vmem>>, %arg2: memref<128x128xf32, #tpu.memory_space<vmem>>, %arg3: memref<128x32xf32, #tpu.memory_space<vmem>>, %arg4: memref<128x32xf32, #tpu.memory_space<vmem>>, %arg5: memref<1x128xf32, #tpu.memory_space<vmem>>, %arg6: memref<1x32xf32, #tpu.memory_space<vmem>>, %arg7: memref<1x32xf32, #tpu.memory_space<vmem>>, %arg8: memref<1000x128xf32, #tpu.memory_space<vmem>>, %arg9: memref<2x1000x32xf32, #tpu.memory_space<vmem>>) attributes {dimension_semantics = [#tpu.dimension_semantics<arbitrary>], iteration_bounds = array<i64: 10>, scalar_prefetch = 0 : i64, scratch_operands = 0 : i64, tpu.core_type = #tpu.core_type<tc>, window_params = [{transform_indices = @transform_0, window_bounds = array<i64: 1000, 128>}, {pipeline_mode = #tpu.pipeline_mode<synchronous>, transform_indices = @transform_1, window_bounds = array<i64: 128, 128>}, {pipeline_mode = #tpu.pipeline_mode<synchronous>, transform_indices = @transform_2, window_bounds = array<i64: 128, 32>}, {pipeline_mode = #tpu.pipeline_mode<synchronous>, transform_indices = @transform_3, window_bounds = array<i64: 128, 32>}, {pipeline_mode = #tpu.pipeline_mode<synchronous>, transform_indices = @transform_4, window_bounds = array<i64: 1, 128>}, {pipeline_mode = #tpu.pipeline_mode<synchronous>, transform_indices = @transform_5, window_bounds = array<i64: 1, 32>}, {pipeline_mode = #tpu.pipeline_mode<synchronous>, transform_indices = @transform_6, window_bounds = array<i64: 1, 32>}, {transform_indices = @transform_7, window_bounds = array<i64: 1000, 128>}, {transform_indices = @transform_8, window_bounds = array<i64: 2, 1000, 32>}]} {
    %get3A = arith.constant 0 : index
    %get3A_0 = arith.constant 0 : index
    %get3A_1 = vector.load %arg1[%get3A, %get3A_0] : memref<1000x128xf32, #tpu.memory_space<vmem>>, vector<1000x128xf32>
    %get3A_2 = arith.constant 0 : index
    %get3A_3 = arith.constant 0 : index
    %get3A_4 = vector.load %arg2[%get3A_2, %get3A_3] : memref<128x128xf32, #tpu.memory_space<vmem>>, vector<128x128xf32>
    %dot_general3A = arith.constant dense<0.000000e+00> : vector<1000x128xf32>
    %dot_general3A_5 = tpu.matmul %get3A_1, %get3A_4, %dot_general3A {dimension_numbers = #tpu.dot_dimension_numbers<[1], [0], [0], [1], [0, 0, 1, 1], [], []>, transpose_lhs_hint = false} : vector<1000x128xf32>, vector<128x128xf32>, vector<1000x128xf32> -> vector<1000x128xf32>
    %get3A_6 = arith.constant 0 : index
    %get3A_7 = arith.constant 0 : index
    %get3A_8 = vector.load %arg5[%get3A_6, %get3A_7] : memref<1x128xf32, #tpu.memory_space<vmem>>, vector<1x128xf32>
    %add3A = vector.broadcast %get3A_8 : vector<1x128xf32> to vector<1000x128xf32>
    %add3A_9 = arith.addf %dot_general3A_5, %add3A : vector<1000x128xf32>
    %swap3A = arith.constant 0 : index
    %swap3A_10 = arith.constant 0 : index
    %swap3A_11 = vector.load %arg8[%swap3A, %swap3A_10] : memref<1000x128xf32, #tpu.memory_space<vmem>>, vector<1000x128xf32>
    tpu.vector_store %arg8[%swap3A, %swap3A_10], %add3A_9 {strides = array<i32>} : memref<1000x128xf32, #tpu.memory_space<vmem>>, vector<1000x128xf32>,
    %get3A_12 = arith.constant 0 : index
    %get3A_13 = arith.constant 0 : index
    %get3A_14 = vector.load %arg3[%get3A_12, %get3A_13] : memref<128x32xf32, #tpu.memory_space<vmem>>, vector<128x32xf32>
    %dot_general3A_15 = arith.constant dense<0.000000e+00> : vector<1000x32xf32>
    %dot_general3A_16 = tpu.matmul %get3A_1, %get3A_14, %dot_general3A_15 {dimension_numbers = #tpu.dot_dimension_numbers<[1], [0], [0], [1], [0, 0, 1, 1], [], []>, transpose_lhs_hint = false} : vector<1000x128xf32>, vector<128x32xf32>, vector<1000x32xf32> -> vector<1000x32xf32>
    %get3A_17 = arith.constant 0 : index
    %get3A_18 = arith.constant 0 : index
    %get3A_19 = vector.load %arg6[%get3A_17, %get3A_18] : memref<1x32xf32, #tpu.memory_space<vmem>>, vector<1x32xf32>
    %add3A_20 = vector.broadcast %get3A_19 : vector<1x32xf32> to vector<1000x32xf32>
    %add3A_21 = arith.addf %dot_general3A_16, %add3A_20 : vector<1000x32xf32>
    %swap3A_22 = arith.constant 0 : index
    %swap3A_23 = arith.constant 0 : index
    %swap3A_24 = arith.constant 0 : index
    %swap3A_25 = vector.load %arg9[%swap3A_22, %swap3A_23, %swap3A_24] : memref<2x1000x32xf32, #tpu.memory_space<vmem>>, vector<1x1000x32xf32>
    %swap3A_26 = vector.shape_cast %swap3A_25 : vector<1x1000x32xf32> to vector<1000x32xf32>
    %swap3A_27 = vector.shape_cast %add3A_21 : vector<1000x32xf32> to vector<1x1000x32xf32>
    tpu.vector_store %arg9[%swap3A_22, %swap3A_23, %swap3A_24], %swap3A_27 {strides = array<i32>} : memref<2x1000x32xf32, #tpu.memory_space<vmem>>, vector<1x1000x32xf32>,
    %get3A_28 = arith.constant 0 : index
    %get3A_29 = arith.constant 0 : index
    %get3A_30 = vector.load %arg4[%get3A_28, %get3A_29] : memref<128x32xf32, #tpu.memory_space<vmem>>, vector<128x32xf32>
    %dot_general3A_31 = arith.constant dense<0.000000e+00> : vector<1000x32xf32>
    %dot_general3A_32 = tpu.matmul %get3A_1, %get3A_30, %dot_general3A_31 {dimension_numbers = #tpu.dot_dimension_numbers<[1], [0], [0], [1], [0, 0, 1, 1], [], []>, transpose_lhs_hint = false} : vector<1000x128xf32>, vector<128x32xf32>, vector<1000x32xf32> -> vector<1000x32xf32>
    %get3A_33 = arith.constant 0 : index
    %get3A_34 = arith.constant 0 : index
    %get3A_35 = vector.load %arg7[%get3A_33, %get3A_34] : memref<1x32xf32, #tpu.memory_space<vmem>>, vector<1x32xf32>
    %add3A_36 = vector.broadcast %get3A_35 : vector<1x32xf32> to vector<1000x32xf32>
    %add3A_37 = arith.addf %dot_general3A_32, %add3A_36 : vector<1000x32xf32>
    %swap3A_38 = arith.constant 1 : index
    %swap3A_39 = arith.constant 0 : index
    %swap3A_40 = arith.constant 0 : index
    %swap3A_41 = vector.load %arg9[%swap3A_38, %swap3A_39, %swap3A_40] : memref<2x1000x32xf32, #tpu.memory_space<vmem>>, vector<1x1000x32xf32>
    %swap3A_42 = vector.shape_cast %swap3A_41 : vector<1x1000x32xf32> to vector<1000x32xf32>
    %swap3A_43 = vector.shape_cast %add3A_37 : vector<1000x32xf32> to vector<1x1000x32xf32>
    tpu.vector_store %arg9[%swap3A_38, %swap3A_39, %swap3A_40], %swap3A_43 {strides = array<i32>} : memref<2x1000x32xf32, #tpu.memory_space<vmem>>, vector<1x1000x32xf32>,
    return
  }
  func.func @transform_0(%arg0: i32) -> (i32, i32) {
    %c0_i32 = arith.constant 0 : i32
    %c0_i32_0 = arith.constant 0 : i32
    return %arg0, %c0_i32 : i32, i32
  }
  func.func @transform_1(%arg0: i32) -> (i32, i32) {
    %c0_i32 = arith.constant 0 : i32
    %c0_i32_0 = arith.constant 0 : i32
    %c0_i32_1 = arith.constant 0 : i32
    return %c0_i32, %c0_i32_0 : i32, i32
  }
  func.func @transform_2(%arg0: i32) -> (i32, i32) {
    %c0_i32 = arith.constant 0 : i32
    %c0_i32_0 = arith.constant 0 : i32
    %c0_i32_1 = arith.constant 0 : i32
    return %c0_i32, %c0_i32_0 : i32, i32
  }
  func.func @transform_3(%arg0: i32) -> (i32, i32) {
    %c0_i32 = arith.constant 0 : i32
    %c0_i32_0 = arith.constant 0 : i32
    %c0_i32_1 = arith.constant 0 : i32
    return %c0_i32, %c0_i32_0 : i32, i32
  }
  func.func @transform_4(%arg0: i32) -> (i32, i32) {
    %c0_i32 = arith.constant 0 : i32
    %c0_i32_0 = arith.constant 0 : i32
    %c0_i32_1 = arith.constant 0 : i32
    return %c0_i32, %c0_i32_0 : i32, i32
  }
  func.func @transform_5(%arg0: i32) -> (i32, i32) {
    %c0_i32 = arith.constant 0 : i32
    %c0_i32_0 = arith.constant 0 : i32
    %c0_i32_1 = arith.constant 0 : i32
    return %c0_i32, %c0_i32_0 : i32, i32
  }
  func.func @transform_6(%arg0: i32) -> (i32, i32) {
    %c0_i32 = arith.constant 0 : i32
    %c0_i32_0 = arith.constant 0 : i32
    %c0_i32_1 = arith.constant 0 : i32
    return %c0_i32, %c0_i32_0 : i32, i32
  }
  func.func @transform_7(%arg0: i32) -> (i32, i32) {
    %c0_i32 = arith.constant 0 : i32
    %c0_i32_0 = arith.constant 0 : i32
    return %arg0, %c0_i32 : i32, i32
  }
  func.func @transform_8(%arg0: i32) -> (i32, i32, i32) {
    %c0_i32 = arith.constant 0 : i32
    %c0_i32_0 = arith.constant 0 : i32
    %c0_i32_1 = arith.constant 0 : i32
    return %c0_i32, %arg0, %c0_i32_0 : i32, i32, i32
  }
}

module attributes {stable_mosaic.version = 14 : i64} {
  func.func @_combine_body(%arg0: i32, %arg1: memref<1000x128xf32, #tpu.memory_space<vmem>>, %arg2: memref<1x1000x32xf32, #tpu.memory_space<vmem>>, %arg3: memref<1x1000x32xf32, #tpu.memory_space<vmem>>, %arg4: memref<1000x128xf32, #tpu.memory_space<vmem>>) attributes {dimension_semantics = [#tpu.dimension_semantics<arbitrary>], iteration_bounds = array<i64: 10>, scalar_prefetch = 0 : i64, scratch_operands = 0 : i64, tpu.core_type = #tpu.core_type<tc>, window_params = [{transform_indices = @transform_0, window_bounds = array<i64: 1000, 128>}, {transform_indices = @transform_1, window_bounds = array<i64: 1, 1000, 32>}, {transform_indices = @transform_2, window_bounds = array<i64: 1, 1000, 32>}, {transform_indices = @transform_3, window_bounds = array<i64: 1000, 128>}]} {
    %get3A = arith.constant 0 : index
    %get3A_0 = arith.constant 0 : index
    %get3A_1 = arith.constant 0 : index
    %get3A_2 = vector.load %arg2[%get3A, %get3A_0, %get3A_1] : memref<1x1000x32xf32, #tpu.memory_space<vmem>>, vector<1x1000x32xf32>
    %get3A_3 = vector.shape_cast %get3A_2 : vector<1x1000x32xf32> to vector<1000x32xf32>
    %get3A_4 = arith.constant 0 : index
    %get3A_5 = arith.constant 0 : index
    %get3A_6 = arith.constant 0 : index
    %get3A_7 = vector.load %arg3[%get3A_4, %get3A_5, %get3A_6] : memref<1x1000x32xf32, #tpu.memory_space<vmem>>, vector<1x1000x32xf32>
    %get3A_8 = vector.shape_cast %get3A_7 : vector<1x1000x32xf32> to vector<1000x32xf32>
    %concatenate3A = tpu.concatenate %get3A_3, %get3A_8 in 1 : vector<1000x32xf32>, vector<1000x32xf32> -> vector<1000x64xf32>
    %get3A_9 = arith.constant 0 : index
    %get3A_10 = arith.constant 0 : index
    %get3A_11 = vector.load %arg1[%get3A_9, %get3A_10] : memref<1000x128xf32, #tpu.memory_space<vmem>>, vector<1000x128xf32>
    %broadcast_in_dim3A = arith.constant 0.000000e+00 : f32
    %broadcast_in_dim3A_12 = vector.broadcast %broadcast_in_dim3A : f32 to vector<1000x64xf32>
    %concatenate3A_13 = tpu.concatenate %concatenate3A, %broadcast_in_dim3A_12 in 1 : vector<1000x64xf32>, vector<1000x64xf32> -> vector<1000x128xf32>
    %add3A = arith.addf %get3A_11, %concatenate3A_13 : vector<1000x128xf32>
    %swap3A = arith.constant 0 : index
    %swap3A_14 = arith.constant 0 : index
    %swap3A_15 = vector.load %arg4[%swap3A, %swap3A_14] : memref<1000x128xf32, #tpu.memory_space<vmem>>, vector<1000x128xf32>
    tpu.vector_store %arg4[%swap3A, %swap3A_14], %add3A {strides = array<i32>} : memref<1000x128xf32, #tpu.memory_space<vmem>>, vector<1000x128xf32>,
    return
  }
  func.func @transform_0(%arg0: i32) -> (i32, i32) {
    %c0_i32 = arith.constant 0 : i32
    %c0_i32_0 = arith.constant 0 : i32
    return %arg0, %c0_i32 : i32, i32
  }
  func.func @transform_1(%arg0: i32) -> (i32, i32, i32) {
    %c0_i32 = arith.constant 0 : i32
    %c0_i32_0 = arith.constant 0 : i32
    %c0_i32_1 = arith.constant 0 : i32
    return %c0_i32, %arg0, %c0_i32_0 : i32, i32, i32
  }
  func.func @transform_2(%arg0: i32) -> (i32, i32, i32) {
    %c1_i32 = arith.constant 1 : i32
    %c0_i32 = arith.constant 0 : i32
    %c0_i32_0 = arith.constant 0 : i32
    return %c1_i32, %arg0, %c0_i32 : i32, i32, i32
  }
  func.func @transform_3(%arg0: i32) -> (i32, i32) {
    %c0_i32 = arith.constant 0 : i32
    %c0_i32_0 = arith.constant 0 : i32
    return %arg0, %c0_i32 : i32, i32
  }
}

</mosaic_0001>

<sc_bundles>
// kernel: kernel.5.cloned.1.call-start
scs
__scs_entry_jumppad:
0x0: {  	(pc) =	sbr.rel $0x88, $3  }
0x1: {  	(tag) =	ssettag $0x0;
	lr =	simm.s32 $0x1  }
0x2: {  	[smem:$0x3F9B] =	sst lr;
	_ =	strace $0xD0000000  }
0x3: {  	_ = 	snop  }
0x4: {  	_ = 	snop  }
0x5: {  	_ = 	snop  }
0x6: {  	_ = 	snop  }
0x7: {  	_ = 	snop  }
__scs_overlays_trampoline_lowered:
0x8: {  	[smem:$0x3FAA] =	sst s0  }
0x9: {  	[smem:$0x3FAB] =	sst s1  }
0xa: {  	[smem:$0x3FAC] =	sst s2  }
0xb: {  	[smem:$0x3FAD] =	sst s3  }
0xc: {  	[smem:$0x3FAE] =	sst s4  }
0xd: {  	[smem:$0x3FAF] =	sst s5  }
0xe: {  	[smem:$0x3FB0] =	sst s6  }
0xf: {  	[smem:$0x3FB1] =	sst s7  }
0x10: {  	[smem:$0x3FB2] =	sst s8  }
0x11: {  	[smem:$0x3FB3] =	sst s9;
	s0 =	simm.s32 @!p0 $0x0  }
0x12: {  	s1 =	sld [smem:$0x3F99];
	s0 =	simm.s32 @p0 $0x1  }
0x13: {  	[smem:$0x3FB4] =	sst s0;
	s0 =	simm.s32 @!p1 $0x0  }
0x14: {  	s2 =	sld [smem:$0x3F98];
	s0 =	simm.s32 @p1 $0x1  }
0x15: {  	[smem:$0x3FB5] =	sst s0;
	s0 =	simm.s32 @!p2 $0x0  }
0x16: {  	s3 =	sld [smem:$0x3FDB];
	s0 =	simm.s32 @p2 $0x1  }
0x17: {  	s4 =	simm.s32 $0x1BF5;
	[smem:$0x3FB7] =	sst s0  }
0x18: {  	s0 =	sld [smem:$0x3F9A];
	_ =	swait.ge [sflag:s4], $0x0  }
0x19: {  	s7 =	sld [smem:$0x3F9B]  }
0x1a: {  	s8 =	sadd.s32 $0xFFFFE003, lr  }
0x1b: {  	s9 =	sadd.s32 $0xFFFFFEF7, lr;
	s5 =	simm.s32 $0xFFFFFFFF;
	p2 =	slt.u32 s8, $0xFFFFF086  }
0x1c: {  	p1 =	slt.u32 s9, $0xF7A;
	s5 =	simm.s32 @!p2 $0x0  }
0x1d: {  	s5 =	simm.s32 @p1 $0x1;
	p0 =	seq.s32 s7, s2  }
0x1e: {  	s7 =	smul.u32 @!p0 $0xF7A, s2;
	p2 =	seq.s32 @!p0 s5, $0x0  }
0x1f: {  	s9 =	smul.u32 $0xF7A, s1;
	s8 =	simm.s32 @!p0 $0x1BF5;
	p2 =	por !p2, p0  }
0x20: {  	[sflag:s8] =	ssyncset.s32 @!p0 $0xFFFFF086;
	s6 =	sadd.s32 @!p0 s3, s7;
	s7 =	simm.s32 @!p0 $0x108  }
0x21: {  	s3 =	sadd.s32 s3, s9;
	s6 =	sadd.s32 @!p0 $0x88, s6;
	s7 =	simm.s32 @p2 $0x1082  }
0x22: {  	[simem:s7], [sflag:s8] =	dma.local @!p0 [hbm:s6], $0xF7A  }
0x23: {  	s9 =	sor.u32 $0xD0000000, s2;
	s6 =	simm.s32 $0x108;
	_ =	swait.ge @!p0 [sflag:s8], $0x0  }
0x24: {  	s3 =	sadd.s32 $0x88, s3;
	s6 =	simm.s32 @!p1 $0x1082;
	[sflag:s4] =	ssyncset.s32 $0xFFFFF086  }
0x25: {  	[simem:s6], [sflag:s4] =	dma.local [hbm:s3], $0xF7A  }
0x26: {  	[smem:$0x3F9B] =	sst s1;
	(tag) =	ssettag s2;
	_ =	strace s9  }
0x27: {  	s1 =	sld [smem:$0x3FAB]  }
0x28: {  	s2 =	sld [smem:$0x3FAC]  }
0x29: {  	s4 =	sld [smem:$0x3FAE]  }
0x2a: {  	p0 =	seq.s32 s5, $0x0;
	s5 =	sld [smem:$0x3FAF]  }
0x2b: {  	s6 =	sld [smem:$0x3FB0]  }
0x2c: {  	s7 =	sld [smem:$0x3FB1]  }
0x2d: {  	s3 =	simm.s32 $0x108;
	s8 =	sld [smem:$0x3FB2]  }
0x2e: {  	s3 =	simm.s32 @!p0 $0x1082;
	s9 =	sld [smem:$0x3FB3]  }
0x2f: {  	lr =	sadd.s32 s0, s3;
	s0 =	sld [smem:$0x3FAA]  }
0x30: {  	s3 =	sld [smem:$0x3FAD]  }
0x31: {  	[smem:$0x3FB6] =	sst s10  }
0x32: {  	s10 =	sld [smem:$0x3FB4];
	_ =	sdelay $0x3  }
0x33: {  	p0 =	seq.s32 s10, $0x1;
	s10 =	sld [smem:$0x3FB6];
	_ =	sdelay $0x3  }
0x34: {  	[smem:$0x3FB6] =	sst s10  }
0x35: {  	s10 =	sld [smem:$0x3FB5];
	_ =	sdelay $0x3  }
0x36: {  	p1 =	seq.s32 s10, $0x1;
	s10 =	sld [smem:$0x3FB6];
	_ =	sdelay $0x3  }
0x37: {  	[smem:$0x3FB6] =	sst s10  }
0x38: {  	s10 =	sld [smem:$0x3FB7]  }
0x39: {  	_ = 	snop;
	(pc) =	sbr.ind lr, $3  }
0x3a: {  	_ = 	snop  }
0x3b: {  	_ = 	snop  }
0x3c: {  	p2 =	seq.s32 s10, $0x1;
	s10 =	sld [smem:$0x3FB6]  }
0x3d: {  	_ =	shalt  }
0x3e: {  	_ =	shalt  }
0x3f: {  	_ =	shalt  }
0x40: {  	_ =	shalt  }
0x41: {  	_ =	shalt  }
0x42: {  	_ =	shalt  }
0x43: {  	_ =	shalt  }
0x44: {  	_ =	shalt  }
0x45: {  	_ =	shalt  }
0x46: {  	_ =	shalt  }
0x47: {  	_ =	shalt  }
0x48: {  	_ =	shalt  }
0x49: {  	_ =	shalt  }
0x4a: {  	_ =	shalt  }
0x4b: {  	_ =	shalt  }
0x4c: {  	_ =	shalt  }
0x4d: {  	_ =	shalt  }
0x4e: {  	_ =	shalt  }
0x4f: {  	_ =	shalt  }
0x50: {  	_ =	shalt  }
0x51: {  	_ =	shalt  }
0x52: {  	_ =	shalt  }
0x53: {  	_ =	shalt  }
0x54: {  	_ =	shalt  }
0x55: {  	_ =	shalt  }
0x56: {  	_ =	shalt  }
0x57: {  	_ =	shalt  }
0x58: {  	_ =	shalt  }
0x59: {  	_ =	shalt  }
0x5a: {  	_ =	shalt  }
0x5b: {  	_ =	shalt  }
0x5c: {  	_ =	shalt  }
0x5d: {  	_ =	shalt  }
0x5e: {  	_ =	shalt  }
0x5f: {  	_ =	shalt  }
0x60: {  	_ =	shalt  }
0x61: {  	_ =	shalt  }
0x62: {  	_ =	shalt  }
0x63: {  	_ =	shalt  }
0x64: {  	_ =	shalt  }
0x65: {  	_ =	shalt  }
0x66: {  	_ =	shalt  }
0x67: {  	_ =	shalt  }
0x68: {  	_ =	shalt  }
0x69: {  	_ =	shalt  }
0x6a: {  	_ =	shalt  }
0x6b: {  	_ =	shalt  }
0x6c: {  	_ =	shalt  }
0x6d: {  	_ =	shalt  }
0x6e: {  	_ =	shalt  }
0x6f: {  	_ =	shalt  }
0x70: {  	_ =	shalt  }
0x71: {  	_ =	shalt  }
0x72: {  	_ =	shalt  }
0x73: {  	_ =	shalt  }
0x74: {  	_ =	shalt  }
0x75: {  	_ =	shalt  }
0x76: {  	_ =	shalt  }
0x77: {  	_ =	shalt  }
0x78: {  	_ =	shalt  }
0x79: {  	_ =	shalt  }
0x7a: {  	_ =	shalt  }
0x7b: {  	_ =	shalt  }
0x7c: {  	_ =	shalt  }
0x7d: {  	_ =	shalt  }
0x7e: {  	_ =	shalt  }
0x7f: {  	_ =	shalt  }
0x80: {  	_ =	shalt  }
0x81: {  	_ =	shalt  }
0x82: {  	_ =	shalt  }
0x83: {  	_ =	shalt  }
0x84: {  	_ =	shalt  }
0x85: {  	_ =	shalt  }
0x86: {  	_ =	shalt  }
0x87: {  	_ =	shalt  }
.Lfunc_end0:
.L_simem_size_0:
called_computation_lowered:
.L_overlay_start_0:
0x88: {  	s2 =	sld [smem:$0x3FD9]  }
0x89: {  	s3 =	sld [smem:$0x3FFE];
	_ =	sdelay $0x1  }
0x8a: {  	s1 =	srdreg.scid  }
0x8b: {  	s0 =	sand.u32 $0x1, s1  }
0x8c: {  	s17 =	sshll.u32 s0, $0xA;
	s2 =	sadd.s32 s3, s2  }
0x8d: {  	s2 =	sadd.s32 s2, s17  }
0x8e: {  	[smem:$0x3FC2] =	sst s2  }
0x8f: {  	_ = 	snop  }
0x90: {  	s2 =	sld [smem:$0x3FD0];
	(tm) =	ssettm $0x1  }
0x91: {  	s18 =	sld [smem:$0x3FFB];
	_ =	sdelay $0x3  }
0x92: {  	_ =	strace s18  }
0x93: {  	s3 =	sld [smem:$0x3FFC];
	_ =	sdelay $0x3  }
0x94: {  	_ =	strace s3  }
0x95: {  	s3 =	sld [smem:$0x3FFD];
	_ =	sdelay $0x3  }
0x96: {  	_ =	strace s3  }
0x97: {  	_ =	strace $0x8FFFFFFF  }
0x98: {  	s19 =	sld [smem:$0x3FDB];
	_ =	sdelay $0x1  }
0x99: {  	s4 =	simm.s32 $_scs_section_size  }
0x9a: {  	s5 =	simm.s32 $_size__tile_overlayer_lowered;
	s6 =	simm.s32 $_tile_overlayer_lowered  }
0x9b: {  	s22 =	simm.s32 $0x1BFF;
	s21 =	sshll.u32 s6, $0x1;
	s3 =	sadd.s32 s4, s19  }
0x9c: {  	s7 =	simm.s32 $0x0;
	s20 =	sshll.u32 s5, $0x1;
	s5 =	sadd.s32 s21, s3  }
0x9d: {  	[timem:s7], [sflag:s22] =	dma.local [hbm:s5], s20  }
0x9e: {  	_ =	swait.ge [sflag:s22], s20  }
0x9f: {  	s4 =	ssub.s32 $0x0, s20;
	[sflag:s22] =	ssyncset.done $0x0  }
0xa0: {  	[sflag:s22] =	ssyncadd.s32 s4;
	_ =	sdelay $0x1  }
0xa1: {  	s23 =	simm.s32 $0x1B8B  }
0xa2: {  	_ =	swait.ge [sflag:s23], $0x1  }
0xa3: {  	[sflag:s23] =	ssyncset.done $0x0  }
0xa4: {  	s25 =	simm.s32 $0x1B8E;
	s24 =	sld [smem:$0x3FFE];
	[sflag:s23] =	ssyncadd.s32 $0xFFFFFFFF  }
0xa5: {  	s26 =	simm.s32 $execute0_lowered;
	[smem:$0x3FD2] =	sst s25  }
0xa6: {  	s5 =	sshll.u32 s26, $0x1;
	_ =	strace $0x80000046;
	[dreg:$0x1] =	wrdreg $0xFFFFFFFF  }
0xa7: {  	s28 =	simm.s32 $_size_execute0_lowered;
	s3 =	sadd.s32 s3, s5;
	[dreg:$0x0] =	wrdreg $0x0  }
0xa8: {  	s5 =	sshll.u32 s28, $0x1;
	[dreg:$0x2] =	wrdreg s3  }
0xa9: {  	[dreg:$0x3] =	wrdreg s5  }
0xaa: {  	[dreg:$0x4] =	wrdreg $0xC0  }
0xab: {  	_ =	task [dreg:s7], $0x5FFFF  }
0xac: {  	[dreg:$0x1] =	wrdreg $0xFFFFFFFF  }
0xad: {  	[dreg:$0x0] =	wrdreg $0x60  }
0xae: {  	[dreg:$0x2] =	wrdreg s24  }
0xaf: {  	[dreg:$0x3] =	wrdreg s2  }
0xb0: {  	[dreg:$0x4] =	wrdreg $0x12F000  }
0xb1: {  	[dreg:$0x5] =	wrdreg $0xE0000  }
0xb2: {  	[dreg:$0x6] =	wrdreg $0x9  }
0xb3: {  	_ =	task.clear_ibuf [dreg:s7], $0x7FFFF;
	_ =	strace $0x90000046  }
0xb4: {  	s29 =	simm.s32 $0x9;
	_ =	strace $0x80000048  }
0xb5: {  	_ =	swait.ge [sflag:s29], $0x1  }
0xb6: {  	[sflag:s29] =	ssyncadd.s32 $0xFFFFFFFF  }
0xb7: {  	_ =	strace $0x90000048  }
0xb8: {  	_ =	sfence  }
0xb9: {  	s30 =	sld [smem:$0x0];
	_ =	sdelay $0x2  }
0xba: {  	s31 =	sshll.u32 s1, $0xD;
	s1 =	sshrl.u32 s1, $0x2  }
0xbb: {  	s3 =	sand.u32 $0x4000, s31;
	s1 =	sadd.s32 s1, s30  }
0xbc: {  	s0 =	sor.u32 s3, s0;
	s1 =	sshll.u32 s1, $0x11  }
0xbd: {  	s0 =	sor.u32 s1, s0  }
0xbe: {  	s0 =	sadd.s32 $0x8F2B, s0  }
0xbf: {  	[sflag:s0] =	ssyncadd.remote.s32 $0x1  }
0xc0: {  	_ =	sfence.sel $0xFFFF  }
0xc1: {  	[dreg:$0x0] =	wrdreg $0xFFFFFFFF;
	(pc) =	sbr.abs _section_cstart, $3  }
0xc2: {  	[dreg:$0x1] =	wrdreg $0xFFFFFFFF  }
0xc3: {  	_ =	task.clear_ibuf [dreg:s7], $0x2FFFF;
	_ =	strace $0x9FFFFFFF  }
0xc4: {  	(tm) =	ssettm $0x7FFFFFFF  }
0xc5: {  	_ =	shalt  }
tec
execute0_lowered:
.L_overlay_start_1:
0x0: {  	(tag) =	ssettag $0x1  }
0x1: {  	s5 =	rddreg [dreg:$0x0]  }
0x2: {  	s9 =	rddreg [dreg:$0x1]  }
0x3: {  	s1 =	rddreg [dreg:$0x2]  }
0x4: {  	s2 =	rddreg [dreg:$0x3];
	s3 =	srdreg.scid  }
0x5: {  	s4 =	simm.s32 $0x0;
	s14 =	simm.s32 $0x1;
	s15 =	simm.s32 $0x80  }
0x6: {  	s16 =	simm.s32 $0x5000;
	s17 =	simm.s32 $0x5100;
	s18 =	simm.s32 $0x4F00  }
0x7: {  	s19 =	simm.s32 $0x7100;
	s20 =	simm.s32 $0x5080;
	s6 =	sand.u32 $0x1, s3  }
0x8: {  	s21 =	simm.s32 $0x6100;
	s3 =	stileid.u32;
	s7 =	smul.u32 $0x4E200, s6  }
0x9: {  	s22 =	simm.s32 $0x4F80;
	s23 =	simm.s32 $0x8100;
	s8 =	smul.u32 $0x4E20, s3  }
0xa: {  	s24 =	simm.s32 $0x2;
	s28 =	simm.s32 $0x0;
	s10 =	smul.u32 $0x9E0, s3  }
0xb: {  	[smem:$0x7FF] =	sst s4;
	s11 =	ssub.s32 $0x2, s6;
	s12 =	smul.u32 $0x4F00, s3  }
0xc: {  	_ =	strace $0x80000047;
	s6 =	smul.u32 $0x4F000, s6;
	s13 =	sshrl.u32 s11, $0x1  }
0xd: {  	s30 =	sshll.u32 s3, $0x6;
	s7 =	sadd.s32 s8, s7;
	s25 =	ssub.s32 s11, s13  }
0xe: {  	s26 =	sadd.s32 s8, s1;
	s29 =	sadd.s32 s12, s6;
	s8 =	sadd.s32 s12, s2  }
.Ltmp0:
0xf: {  	s12 =	simm.s32 $0x5;
	s13 =	simm.s32 $0x9100;
	(pc) =	sbr.rel .LBB2_1-.Ltmp0, $4  }
0x10: {  	s7 =	sshrl.u32 s7, $0x3;
	s31 =	sshrl.u32 s29, $0x3;
	s11 =	sshrl.u32 s26, $0x3  }
0x11: {  	s26 =	simm.s32 $0x4;
	s7 =	sadd.s32 s7, s5;
	s5 =	sadd.s32 s10, s5  }
0x12: {  	s9 =	sadd.s32 s9, s31;
	s10 =	smax.u32 s25, $0x1;
	s25 =	simm.s32 $0x3  }
0x13: {  	v0 =	vimm.f32 $0.0e+00;
	s5 =	sadd.s32 $0x14400, s5;
	s6 =	sadd.s32 $0xA00, s7;
	s7 =	sor.u32 $0x1C05, s30  }
.LBB2_6:
0x14: {  	s28 =	sadd.s32 $0x1, s28  }
0x15: {  	p0 =	sne.s32 s28, s10  }
.Ltmp1:
0x16: {  	[bflag:$0x0] =	sbarrier.arrive $0xFFFF;
	s0 =	sshrl.u32 s8, $0x3;
	(pc) =	sbr.rel @!p0 .LBB2_7-.Ltmp1, $4  }
0x17: {  	[hbm:s9], [sflag:s7] =	dma.local [spmem:s0], $0x9E0  }
0x18: {  	_ =	swait.ge [sflag:s12], $0x9E0  }
0x19: {  	[sflag:s12] =	ssyncset.done $0x0  }
0x1a: {  	[sflag:s12] =	ssyncadd.s32 $0xFFFFF620  }
.LBB2_1:
0x1b: {  	[tilespmem:s4], [sflag:$0x1] =	stream.linear.gather [hbm4b:s5+s4], $0x4F00, $0x38;
	[tilespmem:$0x17E00] =	vst v63  }
0x1c: {  	[spmem:s11], [sflag:s7] =	dma.local [hbm:s6], $0x9C4  }
0x1d: {  	_ =	swait.ge [sflag:s12], $0x9C4  }
0x1e: {  	[sflag:s12] =	ssyncset.done $0x0  }
0x1f: {  	s29 =	simm.s32 $0x80;
	s30 =	simm.s32 $0x0;
	[sflag:s12] =	ssyncadd.s32 $0xFFFFF63C  }
.LBB2_2:
0x20: {  	p0 =	sne.s32 s29, $0x13B80;
	[tilespmem:s30+$0x9100] =	vst v0;
	s31 =	smov.u32 s29;
	s29 =	sadd.s32 $0x80, s29  }
.Ltmp2:
0x21: {  	[tilespmem:s30+$0x9110] =	vst v0;
	(pc) =	sbr.rel @p0 .LBB2_2-.Ltmp2, $2  }
0x22: {  	_ =	sdelay $0x2  }
0x23: {  	s30 =	sshra.s32 s31, $0x2  }
0x24: {  	[tilespmem:s30+$0x9100] =	vst v0  }
0x25: {  	[tilespmem:s30+$0x9110] =	vst v0  }
0x26: {  	[spmem:s8] =	stream.linear.scatter [tilespmem:s13], [sflag:$0x5], $0x4F00, $0x38;
	[tilespmem:$0x17E00] =	vst v63  }
0x27: {  	_ =	swait.ge [sflag:s12], $0x4F00  }
0x28: {  	[sflag:s12] =	ssyncset.done $0x0  }
0x29: {  	[sflag:s12] =	ssyncadd.s32 $0xFFFFB100  }
0x2a: {  	_ =	swait.ge [sflag:s14], $0x4F00  }
0x2b: {  	[sflag:s14] =	ssyncset.done $0x0  }
0x2c: {  	[sflag:s14] =	ssyncadd.s32 $0xFFFFB100  }
0x2d: {  	[bflag:$0x0] =	sbarrier.arrive $0xFFFF  }
0x2e: {  	v1 =	vld [tilespmem:$0x0];
	_ =	sdelay $0x1  }
0x2f: {  	v2 =	vld [tilespmem:$0x10];
	_ =	sdelay $0x1  }
0x30: {  	v3 =	vld [tilespmem:$0x20]  }
0x31: {  	v4 =	vshra.s32 v1, $0x10  }
0x32: {  	v59 =	vld [tilespmem:$0x30];
	v1 =	vand.u32 $0xFFFF, v1;
	[tilespmem:$0x4F00] =	vst v4  }
0x33: {  	[tilespmem:$0x5000] =	vst v1;
	v1 =	vshra.s32 v2, $0x10  }
0x34: {  	[tilespmem:$0x4F10] =	vst v1;
	v1 =	vand.u32 $0xFFFF, v2;
	v2 =	vld [tilespmem:$0x40]  }
0x35: {  	[tilespmem:$0x5010] =	vst v1;
	v1 =	vshra.s32 v3, $0x10  }
0x36: {  	[tilespmem:$0x4F20] =	vst v1;
	v1 =	vand.u32 $0xFFFF, v3;
	v3 =	vld [tilespmem:$0x50]  }
0x37: {  	[tilespmem:$0x5020] =	vst v1;
	v1 =	vshra.s32 v59, $0x10  }
0x38: {  	v60 =	vld [tilespmem:$0x60];
	[tilespmem:$0x4F30] =	vst v1;
	v1 =	vand.u32 $0xFFFF, v59  }
0x39: {  	[tilespmem:$0x5030] =	vst v1;
	v1 =	vshra.s32 v2, $0x10  }
0x3a: {  	[tilespmem:$0x4F40] =	vst v1;
	v1 =	vand.u32 $0xFFFF, v2;
	v2 =	vld [tilespmem:$0x70]  }
0x3b: {  	[tilespmem:$0x5040] =	vst v1;
	v1 =	vshra.s32 v3, $0x10  }
0x3c: {  	[tilespmem:$0x4F50] =	vst v1;
	v1 =	vand.u32 $0xFFFF, v3  }
0x3d: {  	[tilespmem:$0x5050] =	vst v1;
	v1 =	vshra.s32 v60, $0x10  }
0x3e: {  	[tilespmem:$0x4F60] =	vst v1;
	v1 =	vand.u32 $0xFFFF, v60  }
0x3f: {  	[tilespmem:$0x5060] =	vst v1;
	v1 =	vshra.s32 v2, $0x10  }
0x40: {  	[tilespmem:$0x4F70] =	vst v1;
	v1 =	vand.u32 $0xFFFF, v2  }
0x41: {  	[tilespmem:$0x5070] =	vst v1  }
0x42: {  	[tilespmem:s17], [sflag:$0x1] =	stream.indirect.gather [spmem:s1], $0x20, s16, s15, $0xb8;
	[tilespmem:$0x17E00] =	vst v63  }
0x43: {  	_ = 	snop  }
0x44: {  	[tilespmem:s19], [sflag:$0x2] =	stream.indirect.gather [spmem:s1], $0x20, s18, s15, $0xb8;
	[tilespmem:$0x17E00] =	vst v63  }
0x45: {  	v1 =	vld [tilespmem:$0x80];
	_ =	sdelay $0x1  }
0x46: {  	v2 =	vld [tilespmem:$0x90];
	_ =	sdelay $0x1  }
0x47: {  	v3 =	vld [tilespmem:$0xA0]  }
0x48: {  	v61 =	vshra.s32 v1, $0x10  }
0x49: {  	v62 =	vld [tilespmem:$0xB0];
	v1 =	vand.u32 $0xFFFF, v1;
	[tilespmem:$0x4F80] =	vst v61  }
0x4a: {  	[tilespmem:$0x5080] =	vst v1;
	v1 =	vshra.s32 v2, $0x10  }
0x4b: {  	[tilespmem:$0x4F90] =	vst v1;
	v1 =	vand.u32 $0xFFFF, v2;
	v2 =	vld [tilespmem:$0xC0]  }
0x4c: {  	[tilespmem:$0x5090] =	vst v1;
	v1 =	vshra.s32 v3, $0x10  }
0x4d: {  	[tilespmem:$0x4FA0] =	vst v1;
	v1 =	vand.u32 $0xFFFF, v3;
	v3 =	vld [tilespmem:$0xD0]  }
0x4e: {  	[tilespmem:$0x50A0] =	vst v1;
	v1 =	vshra.s32 v62, $0x10  }
0x4f: {  	v63 =	vld [tilespmem:$0xE0];
	[tilespmem:$0x4FB0] =	vst v1;
	v1 =	vand.u32 $0xFFFF, v62  }
0x50: {  	[tilespmem:$0x50B0] =	vst v1;
	v1 =	vshra.s32 v2, $0x10  }
0x51: {  	[tilespmem:$0x4FC0] =	vst v1;
	v1 =	vand.u32 $0xFFFF, v2;
	v2 =	vld [tilespmem:$0xF0]  }
0x52: {  	[tilespmem:$0x50C0] =	vst v1;
	v1 =	vshra.s32 v3, $0x10  }
0x53: {  	[tilespmem:$0x4FD0] =	vst v1;
	v1 =	vand.u32 $0xFFFF, v3  }
0x54: {  	[tilespmem:$0x50D0] =	vst v1;
	v1 =	vshra.s32 v63, $0x10  }
0x55: {  	[tilespmem:$0x4FE0] =	vst v1;
	v1 =	vand.u32 $0xFFFF, v63  }
0x56: {  	[tilespmem:$0x50E0] =	vst v1;
	v1 =	vshra.s32 v2, $0x10  }
0x57: {  	[tilespmem:$0x4FF0] =	vst v1;
	v1 =	vand.u32 $0xFFFF, v2  }
0x58: {  	[tilespmem:$0x50F0] =	vst v1  }
0x59: {  	[tilespmem:s21], [sflag:$0x3] =	stream.indirect.gather [spmem:s1], $0x20, s20, s15, $0xb8;
	[tilespmem:$0x17E00] =	vst v63  }
0x5a: {  	s29 =	simm.s32 $0x0  }
0x5b: {  	[tilespmem:s23], [sflag:$0x4] =	stream.indirect.gather [spmem:s1], $0x20, s22, s15, $0xb8;
	[tilespmem:$0x17E00] =	vst v63  }
.LBB2_4:
0x5c: {  	_ =	swait.ge [sflag:s14], $0x1000  }
0x5d: {  	[sflag:s14] =	ssyncset.done $0x0  }
0x5e: {  	[sflag:s14] =	ssyncadd.s32 $0xFFFFF000  }
0x5f: {  	[spmem:s2] =	stream.indirect.scatter.add.f32 [tilespmem:s17], [sflag:$0x5], $0x20, s18, s15, $0xb8;
	[tilespmem:$0x17E00] =	vst v63  }
0x60: {  	_ =	swait.ge [sflag:s12], $0x1000  }
0x61: {  	[sflag:s12] =	ssyncset.done $0x0  }
0x62: {  	[sflag:s12] =	ssyncadd.s32 $0xFFFFF000  }
0x63: {  	_ =	swait.ge [sflag:s24], $0x1000  }
0x64: {  	[sflag:s24] =	ssyncset.done $0x0  }
0x65: {  	[sflag:s24] =	ssyncadd.s32 $0xFFFFF000  }
0x66: {  	[spmem:s2] =	stream.indirect.scatter.add.f32 [tilespmem:s19], [sflag:$0x5], $0x20, s16, s15, $0xb8;
	[tilespmem:$0x17E00] =	vst v63  }
0x67: {  	_ =	swait.ge [sflag:s12], $0x1000  }
0x68: {  	p0 =	seq.s32 s29, $0x13800;
	[sflag:s12] =	ssyncset.done $0x0  }
0x69: {  	s30 =	sshra.s32 @!p0 s29, $0x2;
	[sflag:s12] =	ssyncadd.s32 $0xFFFFF000  }
0x6a: {  	v1 =	vld @!p0 [tilespmem:s30+$0x100];
	_ =	sdelay $0x4  }
0x6b: {  	v2 =	vshra.s32 @!p0 v1, $0x10  }
0x6c: {  	v1 =	vand.u32 @!p0 $0xFFFF, v1;
	[tilespmem:$0x4F00] =	vst @!p0 v2  }
0x6d: {  	[tilespmem:$0x5000] =	vst @!p0 v1  }
0x6e: {  	v1 =	vld @!p0 [tilespmem:s30+$0x110];
	_ =	sdelay $0x4  }
0x6f: {  	v2 =	vshra.s32 @!p0 v1, $0x10  }
0x70: {  	v1 =	vand.u32 @!p0 $0xFFFF, v1;
	[tilespmem:$0x4F10] =	vst @!p0 v2  }
0x71: {  	[tilespmem:$0x5010] =	vst @!p0 v1  }
0x72: {  	v1 =	vld @!p0 [tilespmem:s30+$0x120];
	_ =	sdelay $0x4  }
0x73: {  	v2 =	vshra.s32 @!p0 v1, $0x10  }
0x74: {  	v1 =	vand.u32 @!p0 $0xFFFF, v1;
	[tilespmem:$0x4F20] =	vst @!p0 v2  }
0x75: {  	[tilespmem:$0x5020] =	vst @!p0 v1  }
0x76: {  	v1 =	vld @!p0 [tilespmem:s30+$0x130];
	_ =	sdelay $0x4  }
0x77: {  	v2 =	vshra.s32 @!p0 v1, $0x10  }
0x78: {  	v1 =	vand.u32 @!p0 $0xFFFF, v1;
	[tilespmem:$0x4F30] =	vst @!p0 v2  }
0x79: {  	[tilespmem:$0x5030] =	vst @!p0 v1  }
0x7a: {  	v1 =	vld @!p0 [tilespmem:s30+$0x140];
	_ =	sdelay $0x4  }
0x7b: {  	v2 =	vshra.s32 @!p0 v1, $0x10  }
0x7c: {  	v1 =	vand.u32 @!p0 $0xFFFF, v1;
	[tilespmem:$0x4F40] =	vst @!p0 v2  }
0x7d: {  	[tilespmem:$0x5040] =	vst @!p0 v1  }
0x7e: {  	v1 =	vld @!p0 [tilespmem:s30+$0x150];
	_ =	sdelay $0x4  }
0x7f: {  	v2 =	vshra.s32 @!p0 v1, $0x10  }
0x80: {  	v1 =	vand.u32 @!p0 $0xFFFF, v1;
	[tilespmem:$0x4F50] =	vst @!p0 v2  }
0x81: {  	[tilespmem:$0x5050] =	vst @!p0 v1  }
0x82: {  	v1 =	vld @!p0 [tilespmem:s30+$0x160];
	_ =	sdelay $0x4  }
0x83: {  	v2 =	vshra.s32 @!p0 v1, $0x10  }
0x84: {  	v1 =	vand.u32 @!p0 $0xFFFF, v1;
	[tilespmem:$0x4F60] =	vst @!p0 v2  }
0x85: {  	[tilespmem:$0x5060] =	vst @!p0 v1  }
0x86: {  	v1 =	vld @!p0 [tilespmem:s30+$0x170];
	_ =	sdelay $0x4  }
0x87: {  	v2 =	vshra.s32 @!p0 v1, $0x10  }
0x88: {  	v1 =	vand.u32 @!p0 $0xFFFF, v1;
	[tilespmem:$0x4F70] =	vst @!p0 v2  }
0x89: {  	s31 =	simm.s32 @!p0 $0x5000;
	s0 =	simm.s32 @!p0 $0x5100;
	s30 =	simm.s32 @!p0 $0x80;
	[tilespmem:$0x5070] =	vst @!p0 v1  }
0x8a: {  	[tilespmem:s0], [sflag:$0x1] =	stream.indirect.gather @!p0 [spmem:s1], $0x20, s31, s30, $0xb8;
	[tilespmem:$0x17E00] =	vst v63  }
0x8b: {  	s0 =	simm.s32 @!p0 $0x4F00;
	s31 =	simm.s32 @!p0 $0x7100  }
0x8c: {  	[tilespmem:s31], [sflag:$0x2] =	stream.indirect.gather @!p0 [spmem:s1], $0x20, s0, s30, $0xb8;
	[tilespmem:$0x17E00] =	vst v63  }
0x8d: {  	_ =	swait.ge [sflag:s25], $0x1000  }
0x8e: {  	[sflag:s25] =	ssyncset.done $0x0  }
0x8f: {  	[sflag:s25] =	ssyncadd.s32 $0xFFFFF000  }
0x90: {  	[spmem:s2] =	stream.indirect.scatter.add.f32 [tilespmem:s21], [sflag:$0x5], $0x20, s22, s15, $0xb8;
	[tilespmem:$0x17E00] =	vst v63  }
0x91: {  	_ =	swait.ge [sflag:s12], $0x1000  }
0x92: {  	[sflag:s12] =	ssyncset.done $0x0  }
0x93: {  	[sflag:s12] =	ssyncadd.s32 $0xFFFFF000  }
0x94: {  	_ =	swait.ge [sflag:s26], $0x1000  }
0x95: {  	[sflag:s26] =	ssyncset.done $0x0  }
.Ltmp3:
0x96: {  	[sflag:s26] =	ssyncadd.s32 $0xFFFFF000;
	(pc) =	sbr.rel @p0 .LBB2_6-.Ltmp3, $4  }
0x97: {  	[spmem:s2] =	stream.indirect.scatter.add.f32 [tilespmem:s23], [sflag:$0x5], $0x20, s20, s15, $0xb8;
	[tilespmem:$0x17E00] =	vst v63  }
0x98: {  	_ =	swait.ge [sflag:s12], $0x1000  }
0x99: {  	[sflag:s12] =	ssyncset.done $0x0  }
0x9a: {  	[sflag:s12] =	ssyncadd.s32 $0xFFFFF000  }
0x9b: {  	s0 =	sshra.s32 s29, $0x2  }
0x9c: {  	v1 =	vld [tilespmem:s0+$0x180];
	_ =	sdelay $0x4  }
0x9d: {  	v2 =	vshra.s32 v1, $0x10  }
0x9e: {  	v1 =	vand.u32 $0xFFFF, v1;
	[tilespmem:$0x4F80] =	vst v2  }
0x9f: {  	[tilespmem:$0x5080] =	vst v1  }
0xa0: {  	v1 =	vld [tilespmem:s0+$0x190];
	_ =	sdelay $0x4  }
0xa1: {  	v2 =	vshra.s32 v1, $0x10  }
0xa2: {  	v1 =	vand.u32 $0xFFFF, v1;
	[tilespmem:$0x4F90] =	vst v2  }
0xa3: {  	[tilespmem:$0x5090] =	vst v1  }
0xa4: {  	v1 =	vld [tilespmem:s0+$0x1A0];
	_ =	sdelay $0x4  }
0xa5: {  	v2 =	vshra.s32 v1, $0x10  }
0xa6: {  	v1 =	vand.u32 $0xFFFF, v1;
	[tilespmem:$0x4FA0] =	vst v2  }
0xa7: {  	[tilespmem:$0x50A0] =	vst v1  }
0xa8: {  	v1 =	vld [tilespmem:s0+$0x1B0];
	_ =	sdelay $0x4  }
0xa9: {  	v2 =	vshra.s32 v1, $0x10  }
0xaa: {  	v1 =	vand.u32 $0xFFFF, v1;
	[tilespmem:$0x4FB0] =	vst v2  }
0xab: {  	[tilespmem:$0x50B0] =	vst v1  }
0xac: {  	v1 =	vld [tilespmem:s0+$0x1C0];
	_ =	sdelay $0x4  }
0xad: {  	v2 =	vshra.s32 v1, $0x10  }
0xae: {  	v1 =	vand.u32 $0xFFFF, v1;
	[tilespmem:$0x4FC0] =	vst v2  }
0xaf: {  	[tilespmem:$0x50C0] =	vst v1  }
0xb0: {  	v1 =	vld [tilespmem:s0+$0x1D0];
	_ =	sdelay $0x4  }
0xb1: {  	v2 =	vshra.s32 v1, $0x10  }
0xb2: {  	v1 =	vand.u32 $0xFFFF, v1;
	[tilespmem:$0x4FD0] =	vst v2  }
0xb3: {  	[tilespmem:$0x50D0] =	vst v1  }
0xb4: {  	v1 =	vld [tilespmem:s0+$0x1E0];
	_ =	sdelay $0x4  }
0xb5: {  	v2 =	vshra.s32 v1, $0x10  }
0xb6: {  	v1 =	vand.u32 $0xFFFF, v1;
	[tilespmem:$0x4FE0] =	vst v2  }
0xb7: {  	[tilespmem:$0x50E0] =	vst v1  }
0xb8: {  	v1 =	vld [tilespmem:s0+$0x1F0];
	_ =	sdelay $0x4  }
0xb9: {  	v2 =	vshra.s32 v1, $0x10  }
.Ltmp4:
0xba: {  	v1 =	vand.u32 $0xFFFF, v1;
	[tilespmem:$0x4FF0] =	vst v2;
	(pc) =	sbr.rel .LBB2_4-.Ltmp4, $4  }
0xbb: {  	[tilespmem:$0x50F0] =	vst v1  }
0xbc: {  	[tilespmem:s21], [sflag:$0x3] =	stream.indirect.gather [spmem:s1], $0x20, s20, s15, $0xb8;
	[tilespmem:$0x17E00] =	vst v63  }
0xbd: {  	s29 =	sadd.s32 $0x400, s29  }
0xbe: {  	[tilespmem:s23], [sflag:$0x4] =	stream.indirect.gather [spmem:s1], $0x20, s22, s15, $0xb8;
	[tilespmem:$0x17E00] =	vst v63  }
.LBB2_7:
0xbf: {  	_ =	sfence.sel $0x180000  }
0xc0: {  	[bflag:$0x0] =	sbarrier.arrive $0xFFFF  }
0xc1: {  	_ =	strace $0x90000047  }
0xc2: {  	[bflag:$0x2] =	sbarrier.arrive $0xFFFF  }
0xc3: {  	p0 =	sne.s32 s3, $0x0;
	s0 =	rddreg [dreg:$0x4]  }
0xc4: {  	s0 =	sadd.s32 @!p0 $0x100000, s0  }
0xc5: {  	[sflag:s0] =	ssyncadd.tile.s32 @!p0 $0x1;
	_ =	shalt  }
.Lfunc_end2:
_tile_overlayer_lowered:
.L_overlay_start_2:
0xc6: {  	(tag) =	ssettag $0x2  }
0xc7: {  	s0 =	rddreg [dreg:$0x0];
	s2 =	stileid.u32  }
0xc8: {  	s1 =	rddreg [dreg:$0x1];
	p0 =	sne.s32 s2, $0x0  }
0xc9: {  	s3 =	rddreg [dreg:$0x2];
	[bflag:$0x3] =	sbarrier.arrive $0xFFFF;
	s2 =	simm.s32 @!p0 $0x1C05  }
0xca: {  	[timem:s3], [sflag:s2] =	dma.local @!p0 [hbm:s0], s1  }
0xcb: {  	s0 =	simm.s32 @!p0 $0x5  }
0xcc: {  	_ =	swait.ge @!p0 [sflag:s0], s1  }
0xcd: {  	s1 =	ssub.s32 @!p0 $0x0, s1;
	[sflag:s0] =	ssyncset.done @!p0 $0x0  }
0xce: {  	[sflag:s0] =	ssyncadd.s32 @!p0 s1  }
0xcf: {  	[bflag:$0x3] =	sbarrier.arrive $0xFFFF  }
0xd0: {  	_ =	shalt  }

</sc_bundles>
